<compile_context>
chip_gen: v7x
topology: tpu7x:2x2x1
jax: 0.10.2.dev20260603
libtpu: 0.0.44.dev20260713+nightly
codegen_flags: <defaults>
</compile_context>

<pallas_src>
import functools

import jax
import jax.numpy as jnp
from jax import lax
from jax.experimental import pallas as pl
from jax.experimental.pallas import tpu as pltpu, tpu_sc as plsc

_EMBED = 64
_L = 200
_HALF = 100
_NVEC = _EMBED // 16


_UNROLL = 4


def _sc_body(seq_hbm, table_hbm, out_hbm, idx_blk, rows0, rows1,
             blk_v, sem0, sem1):
    nc = 2
    wid = lax.axis_index("s") * nc + lax.axis_index("c")
    n_rows = blk_v.shape[0]
    base = wid * n_rows

    pltpu.sync_copy(seq_hbm.at[pl.ds(base, n_rows)], idx_blk)

    rows_bufs = (rows0, rows1)
    sems = (sem0, sem1)

    def fire(s, par):
        for j in range(2):
            pltpu.async_copy(table_hbm.at[idx_blk.at[s, j]],
                             rows_bufs[par].at[j], sems[par])

    def wait_buf(par):
        for j in range(2):
            pltpu.make_async_copy(table_hbm.at[pl.ds(0, _HALF)],
                                  rows_bufs[par].at[j], sems[par]).wait()

    fire(0, 0)
    fire(1, 1)

    def pair_step(p, _):
        for par in range(2):
            s = 2 * p + par
            wait_buf(par)
            rows = rows_bufs[par]
            accs = tuple(jnp.zeros((16,), jnp.float32) for _ in range(_NVEC))
            for j in range(2):
                def inner(r4, acc, rows=rows, j=j):
                    for dr in range(_UNROLL):
                        acc = tuple(
                            a + rows[j, r4 * _UNROLL + dr, pl.ds(16 * k, 16)]
                            for k, a in enumerate(acc))
                    return acc
                accs = lax.fori_loop(0, _HALF // _UNROLL, inner, accs)
            for k in range(_NVEC):
                blk_v[s, pl.ds(16 * k, 16)] = accs[k]

            @pl.when(s + 2 < n_rows)
            def _():
                fire(s + 2, par)
        return 0

    lax.fori_loop(0, n_rows // 2, pair_step, 0)
    pltpu.sync_copy(blk_v, out_hbm.at[pl.ds(base, n_rows)])


def _sc_sum(seq3, emb_table):
    batch, _, _ = seq3.shape
    n_workers = 32
    rows_per_w = batch // n_workers
    mesh = plsc.VectorSubcoreMesh(core_axis_name="c", subcore_axis_name="s")
    grid_kernel = functools.partial(
        pl.kernel,
        out_type=jax.ShapeDtypeStruct((batch, _EMBED), jnp.float32),
        mesh=mesh,
        scratch_types=[
            pltpu.VMEM((rows_per_w, 2, _HALF), jnp.int32),
            pltpu.VMEM((2, _HALF, _EMBED), jnp.float32),
            pltpu.VMEM((2, _HALF, _EMBED), jnp.float32),
            pltpu.VMEM((rows_per_w, _EMBED), jnp.float32),
            pltpu.SemaphoreType.DMA,
            pltpu.SemaphoreType.DMA,
        ],
        compiler_params=pltpu.CompilerParams(use_tc_tiling_on_sc=False),
    )
    return grid_kernel(_sc_body)(seq3, emb_table)


def _tc_body(sum_ref, seq_ref, w_ref, b_ref, out_ref):
    valid = (seq_ref[...] != 0).astype(jnp.float32)
    counts = jnp.maximum(jnp.sum(valid, axis=1, keepdims=True), 1.0)
    enc = sum_ref[...] / counts
    logits = lax.dot_general(enc, w_ref[...], (((1,), (1,)), ((), ())),
                             preferred_element_type=jnp.float32)
    out_ref[...] = logits + b_ref[...]


def _tc_classify(summed, sequences, W, b):
    batch = summed.shape[0]
    n_classes = W.shape[0]
    return pl.pallas_call(
        _tc_body,
        out_shape=jax.ShapeDtypeStruct((batch, n_classes), jnp.float32),
    )(summed, sequences, W, b.reshape(1, n_classes))


@jax.jit
def kernel(sequences, emb_table, W, b):
    batch, seq_len = sequences.shape
    seq3 = sequences.reshape(batch, seq_len // _HALF, _HALF)
    summed = _sc_sum(seq3, emb_table)
    return _tc_classify(summed, sequences, W, b)

# --- scband reference (transcript-rebuilt; emitter-appended) ---
"""Pipeline reference for scband-base-sequence-classifier-py-torch-1211180777921 (READ-ONLY COPY).

The authoritative reference and input builder live on the scoring server;
editing this copy changes nothing except your own understanding.
"""

import jax, jax.numpy as jnp
import numpy as np

VOCAB = 1000000
EMBED = 64
HIDDEN = 64
N_CLASSES = 10
PAD = 0
B = 4096
L = 200


def setup_inputs(seed: int = 0) -> dict:
    key = jax.random.key(seed)
    k_seq, k_emb, k_w = jax.random.split(key, 3)
    sequences = jax.random.randint(k_seq, (B, L), 0, VOCAB, dtype=jnp.int64) if jax.config.jax_enable_x64 else jax.random.randint(k_seq, (B, L), 0, VOCAB, dtype=jnp.int32)
    # nn.init.uniform_(embedding.weight, -0.1, 0.1), padding row zeroed
    emb_table = jax.random.uniform(k_emb, (VOCAB, EMBED), minval=-0.1, maxval=0.1, dtype=jnp.float32)
    emb_table = emb_table.at[PAD].set(0.0)
    # xavier_uniform for classifier weight [n_classes, hidden], bias zeros
    limit = float(np.sqrt(6.0 / (HIDDEN + N_CLASSES)))
    W = jax.random.uniform(k_w, (N_CLASSES, HIDDEN), minval=-limit, maxval=limit, dtype=jnp.float32)
    b = jnp.zeros((N_CLASSES,), dtype=jnp.float32)
    return {"sequences": sequences, "emb_table": emb_table, "W": W, "b": b}


def reference(sequences, emb_table, W, b):
    # padding mask: True where padding
    padding_mask = sequences == PAD
    # embedding lookup (memory-bound gather)
    embedded = jnp.take(emb_table, sequences, axis=0)  # [B, L, E]
    # dropout is identity in eval mode
    # encode_sequence: masked mean pooling over non-padding positions
    valid = (~padding_mask).astype(embedded.dtype)  # [B, L]
    summed = jnp.sum(embedded * valid[:, :, None], axis=1)  # [B, E]
    counts = jnp.maximum(jnp.sum(valid, axis=1, keepdims=True), 1.0)  # [B, 1]
    encoded = summed / counts  # [B, HIDDEN]
    # classifier
    logits = encoded @ W.T + b  # [B, N_CLASSES]
    return logits

if __name__ == "__main__":
    import jax
    _d = setup_inputs()
    print(jax.jit(kernel)(*tuple(_d.values())))

</pallas_src>

<mosaic_0001>
#map = affine_map<(d0, d1) -> (0, 0, 0)>
#map1 = affine_map<(d0, d1) -> (0, 0)>
module attributes {stable_mosaic.version = 14 : i64} {
  func.func @_sc_body(%arg0: i32, %arg1: i32, %arg2: memref<4096x2x100xi32, #tpu.memory_space<hbm>>, %arg3: memref<1000000x64xf32, #tpu.memory_space<hbm>>, %arg4: memref<4096x64xf32, #tpu.memory_space<hbm>>, %arg5: memref<128x2x100xi32, #tpu.memory_space<vmem>>, %arg6: memref<2x100x64xf32, #tpu.memory_space<vmem>>, %arg7: memref<2x100x64xf32, #tpu.memory_space<vmem>>, %arg8: memref<128x64xf32, #tpu.memory_space<vmem>>, %arg9: memref<!tpu.dma_semaphore, #tpu.memory_space<semaphore_mem>>, %arg10: memref<!tpu.dma_semaphore, #tpu.memory_space<semaphore_mem>>) attributes {dimension_semantics = [#tpu.dimension_semantics<core_parallel>, #tpu.dimension_semantics<subcore_parallel>], iteration_bounds = array<i64: 2, 16>, scalar_prefetch = 0 : i64, scratch_operands = 6 : i64, tpu.core_type = #tpu.core_type<sc_vector_subcore>, window_params = [{transform_indices = #map}, {transform_indices = #map1}, {transform_indices = #map1}]} {
    %mul3A = arith.constant 2 : i32
    %mul3A_0 = arith.muli %arg1, %mul3A : i32
    %add3A = arith.addi %mul3A_0, %arg0 : i32
    %mul3A_1 = arith.constant 128 : i32
    %mul3A_2 = arith.muli %add3A, %mul3A_1 : i32
    "tpu.region"() ({
      %run_scoped3A = tpu.sem_alloc : memref<!tpu.dma_semaphore, #tpu.memory_space<semaphore_mem>>
      %dma_start3A_60 = arith.constant 0 : i32
      %dma_start3A_61 = arith.constant 0 : i32
      %dma_start3A_62 = tpu.memref_slice %arg2[%mul3A_2, %dma_start3A_60, %dma_start3A_61] : memref<4096x2x100xi32, #tpu.memory_space<hbm>> -> memref<128x2x100xi32, #tpu.memory_space<hbm>>
      %dma_start3A_63 = arith.constant 0 : i32
      %dma_start3A_64 = arith.constant 0 : i32
      %dma_start3A_65 = tpu.memref_slice %arg2[%mul3A_2, %dma_start3A_63, %dma_start3A_64] : memref<4096x2x100xi32, #tpu.memory_space<hbm>> -> memref<128x2x100xi32, #tpu.memory_space<hbm>>
      tpu.enqueue_dma source(%dma_start3A_65 : memref<128x2x100xi32, #tpu.memory_space<hbm>>) target(%arg5 : memref<128x2x100xi32, #tpu.memory_space<vmem>>) target_semaphore(%run_scoped3A : memref<!tpu.dma_semaphore, #tpu.memory_space<semaphore_mem>>)
      %dma_wait3A = arith.constant 0 : i32
      %dma_wait3A_66 = arith.constant 0 : i32
      %dma_wait3A_67 = tpu.memref_slice %arg2[%mul3A_2, %dma_wait3A, %dma_wait3A_66] : memref<4096x2x100xi32, #tpu.memory_space<hbm>> -> memref<128x2x100xi32, #tpu.memory_space<hbm>>
      %dma_wait3A_68 = arith.constant 0 : i32
      %dma_wait3A_69 = arith.constant 0 : i32
      %dma_wait3A_70 = tpu.memref_slice %arg2[%mul3A_2, %dma_wait3A_68, %dma_wait3A_69] : memref<4096x2x100xi32, #tpu.memory_space<hbm>> -> memref<128x2x100xi32, #tpu.memory_space<hbm>>
      tpu.wait_dma2 semaphore(%run_scoped3A : memref<!tpu.dma_semaphore, #tpu.memory_space<semaphore_mem>>) src(%dma_wait3A_70 : memref<128x2x100xi32, #tpu.memory_space<hbm>>) dst(%arg5 : memref<128x2x100xi32, #tpu.memory_space<vmem>>)
      tpu.yield
    }) : () -> ()
    %dma_start3A = arith.constant 0 : i32
    %dma_start3A_3 = arith.constant 0 : i32
    %dma_start3A_4 = arith.constant 0 : i32
    %dma_start3A_5 = arith.constant 0 : i32
    %dma_start3A_6 = arith.constant 0 : i32
    %dma_start3A_7 = tpu.memref_slice %arg6[%dma_start3A_4, %dma_start3A_5, %dma_start3A_6] : memref<2x100x64xf32, #tpu.memory_space<vmem>> -> memref<1x100x64xf32, #tpu.memory_space<vmem>>
    %dma_start3A_8 = tpu.memref_squeeze %dma_start3A_7 : memref<1x100x64xf32, #tpu.memory_space<vmem>> -> memref<100x64xf32, #tpu.memory_space<vmem>>
    %dma_start3A_9 = arith.constant 0 : i32
    %dma_start3A_10 = tpu.memref_slice %arg5[%dma_start3A, %dma_start3A_3, %dma_start3A_9] : memref<128x2x100xi32, #tpu.memory_space<vmem>> -> memref<1x1x100xi32, #tpu.memory_space<vmem>>
    %dma_start3A_11 = tpu.memref_squeeze %dma_start3A_10 : memref<1x1x100xi32, #tpu.memory_space<vmem>> -> memref<100xi32, #tpu.memory_space<vmem>>
    %dma_start3A_12 = arith.constant 0 : i32
    %dma_start3A_13 = arith.constant 0 : i32
    %dma_start3A_14 = tpu.memref_slice %arg3[%dma_start3A_12, %dma_start3A_13] : memref<1000000x64xf32, #tpu.memory_space<hbm>> -> memref<1000000x64xf32, #tpu.memory_space<hbm>>
    tpu.enqueue_indirect_dma source(%dma_start3A_14 : memref<1000000x64xf32, #tpu.memory_space<hbm>>) target(%dma_start3A_8 : memref<100x64xf32, #tpu.memory_space<vmem>>) offsets(%dma_start3A_11 : memref<100xi32, #tpu.memory_space<vmem>>) semaphore(%arg9 : memref<!tpu.dma_semaphore, #tpu.memory_space<semaphore_mem>>)
    %dma_start3A_15 = arith.constant 0 : i32
    %dma_start3A_16 = arith.constant 1 : i32
    %dma_start3A_17 = arith.constant 1 : i32
    %dma_start3A_18 = arith.constant 0 : i32
    %dma_start3A_19 = arith.constant 0 : i32
    %dma_start3A_20 = tpu.memref_slice %arg6[%dma_start3A_17, %dma_start3A_18, %dma_start3A_19] : memref<2x100x64xf32, #tpu.memory_space<vmem>> -> memref<1x100x64xf32, #tpu.memory_space<vmem>>
    %dma_start3A_21 = tpu.memref_squeeze %dma_start3A_20 : memref<1x100x64xf32, #tpu.memory_space<vmem>> -> memref<100x64xf32, #tpu.memory_space<vmem>>
    %dma_start3A_22 = arith.constant 0 : i32
    %dma_start3A_23 = tpu.memref_slice %arg5[%dma_start3A_15, %dma_start3A_16, %dma_start3A_22] : memref<128x2x100xi32, #tpu.memory_space<vmem>> -> memref<1x1x100xi32, #tpu.memory_space<vmem>>
    %dma_start3A_24 = tpu.memref_squeeze %dma_start3A_23 : memref<1x1x100xi32, #tpu.memory_space<vmem>> -> memref<100xi32, #tpu.memory_space<vmem>>
    %dma_start3A_25 = arith.constant 0 : i32
    %dma_start3A_26 = arith.constant 0 : i32
    %dma_start3A_27 = tpu.memref_slice %arg3[%dma_start3A_25, %dma_start3A_26] : memref<1000000x64xf32, #tpu.memory_space<hbm>> -> memref<1000000x64xf32, #tpu.memory_space<hbm>>
    tpu.enqueue_indirect_dma source(%dma_start3A_27 : memref<1000000x64xf32, #tpu.memory_space<hbm>>) target(%dma_start3A_21 : memref<100x64xf32, #tpu.memory_space<vmem>>) offsets(%dma_start3A_24 : memref<100xi32, #tpu.memory_space<vmem>>) semaphore(%arg9 : memref<!tpu.dma_semaphore, #tpu.memory_space<semaphore_mem>>)
    %dma_start3A_28 = arith.constant 1 : i32
    %dma_start3A_29 = arith.constant 0 : i32
    %dma_start3A_30 = arith.constant 0 : i32
    %dma_start3A_31 = arith.constant 0 : i32
    %dma_start3A_32 = arith.constant 0 : i32
    %dma_start3A_33 = tpu.memref_slice %arg7[%dma_start3A_30, %dma_start3A_31, %dma_start3A_32] : memref<2x100x64xf32, #tpu.memory_space<vmem>> -> memref<1x100x64xf32, #tpu.memory_space<vmem>>
    %dma_start3A_34 = tpu.memref_squeeze %dma_start3A_33 : memref<1x100x64xf32, #tpu.memory_space<vmem>> -> memref<100x64xf32, #tpu.memory_space<vmem>>
    %dma_start3A_35 = arith.constant 0 : i32
    %dma_start3A_36 = tpu.memref_slice %arg5[%dma_start3A_28, %dma_start3A_29, %dma_start3A_35] : memref<128x2x100xi32, #tpu.memory_space<vmem>> -> memref<1x1x100xi32, #tpu.memory_space<vmem>>
    %dma_start3A_37 = tpu.memref_squeeze %dma_start3A_36 : memref<1x1x100xi32, #tpu.memory_space<vmem>> -> memref<100xi32, #tpu.memory_space<vmem>>
    %dma_start3A_38 = arith.constant 0 : i32
    %dma_start3A_39 = arith.constant 0 : i32
    %dma_start3A_40 = tpu.memref_slice %arg3[%dma_start3A_38, %dma_start3A_39] : memref<1000000x64xf32, #tpu.memory_space<hbm>> -> memref<1000000x64xf32, #tpu.memory_space<hbm>>
    tpu.enqueue_indirect_dma source(%dma_start3A_40 : memref<1000000x64xf32, #tpu.memory_space<hbm>>) target(%dma_start3A_34 : memref<100x64xf32, #tpu.memory_space<vmem>>) offsets(%dma_start3A_37 : memref<100xi32, #tpu.memory_space<vmem>>) semaphore(%arg10 : memref<!tpu.dma_semaphore, #tpu.memory_space<semaphore_mem>>)
    %dma_start3A_41 = arith.constant 1 : i32
    %dma_start3A_42 = arith.constant 1 : i32
    %dma_start3A_43 = arith.constant 1 : i32
    %dma_start3A_44 = arith.constant 0 : i32
    %dma_start3A_45 = arith.constant 0 : i32
    %dma_start3A_46 = tpu.memref_slice %arg7[%dma_start3A_43, %dma_start3A_44, %dma_start3A_45] : memref<2x100x64xf32, #tpu.memory_space<vmem>> -> memref<1x100x64xf32, #tpu.memory_space<vmem>>
    %dma_start3A_47 = tpu.memref_squeeze %dma_start3A_46 : memref<1x100x64xf32, #tpu.memory_space<vmem>> -> memref<100x64xf32, #tpu.memory_space<vmem>>
    %dma_start3A_48 = arith.constant 0 : i32
    %dma_start3A_49 = tpu.memref_slice %arg5[%dma_start3A_41, %dma_start3A_42, %dma_start3A_48] : memref<128x2x100xi32, #tpu.memory_space<vmem>> -> memref<1x1x100xi32, #tpu.memory_space<vmem>>
    %dma_start3A_50 = tpu.memref_squeeze %dma_start3A_49 : memref<1x1x100xi32, #tpu.memory_space<vmem>> -> memref<100xi32, #tpu.memory_space<vmem>>
    %dma_start3A_51 = arith.constant 0 : i32
    %dma_start3A_52 = arith.constant 0 : i32
    %dma_start3A_53 = tpu.memref_slice %arg3[%dma_start3A_51, %dma_start3A_52] : memref<1000000x64xf32, #tpu.memory_space<hbm>> -> memref<1000000x64xf32, #tpu.memory_space<hbm>>
    tpu.enqueue_indirect_dma source(%dma_start3A_53 : memref<1000000x64xf32, #tpu.memory_space<hbm>>) target(%dma_start3A_47 : memref<100x64xf32, #tpu.memory_space<vmem>>) offsets(%dma_start3A_50 : memref<100xi32, #tpu.memory_space<vmem>>) semaphore(%arg10 : memref<!tpu.dma_semaphore, #tpu.memory_space<semaphore_mem>>)
    %scan3A = arith.constant 0 : i32
    %scan3A_54 = arith.constant 0 : i32
    %scan3A_55 = arith.constant 64 : i32
    %scan3A_56 = arith.addi %scan3A_54, %scan3A_55 : i32
    %scan3A_57 = arith.constant 1 : i32
    %scan3A_58 = scf.for %scan3A_60 = %scan3A_54 to %scan3A_56 step %scan3A_57 iter_args(%scan3A_61 = %scan3A) -> (i32)  : i32 {
      %mul3A_62 = arith.constant 2 : i32
      %mul3A_63 = arith.muli %mul3A_62, %scan3A_60 : i32
      %add3A_64 = arith.constant 0 : i32
      %add3A_65 = arith.addi %mul3A_63, %add3A_64 : i32
      %dma_wait3A = arith.constant 0 : i32
      %dma_wait3A_66 = arith.constant 0 : i32
      %dma_wait3A_67 = arith.constant 0 : i32
      %dma_wait3A_68 = tpu.memref_slice %arg6[%dma_wait3A, %dma_wait3A_66, %dma_wait3A_67] : memref<2x100x64xf32, #tpu.memory_space<vmem>> -> memref<1x100x64xf32, #tpu.memory_space<vmem>>
      %dma_wait3A_69 = tpu.memref_squeeze %dma_wait3A_68 : memref<1x100x64xf32, #tpu.memory_space<vmem>> -> memref<100x64xf32, #tpu.memory_space<vmem>>
      %dma_wait3A_70 = arith.constant 0 : i32
      %dma_wait3A_71 = arith.constant 0 : i32
      %dma_wait3A_72 = tpu.memref_slice %arg3[%dma_wait3A_70, %dma_wait3A_71] : memref<1000000x64xf32, #tpu.memory_space<hbm>> -> memref<100x64xf32, #tpu.memory_space<hbm>>
      %dma_wait3A_73 = arith.constant 0 : i32
      %dma_wait3A_74 = arith.constant 0 : i32
      %dma_wait3A_75 = tpu.memref_slice %arg6[%dma_wait3A, %dma_wait3A_73, %dma_wait3A_74] : memref<2x100x64xf32, #tpu.memory_space<vmem>> -> memref<1x100x64xf32, #tpu.memory_space<vmem>>
      %dma_wait3A_76 = tpu.memref_squeeze %dma_wait3A_75 : memref<1x100x64xf32, #tpu.memory_space<vmem>> -> memref<100x64xf32, #tpu.memory_space<vmem>>
      %dma_wait3A_77 = arith.constant 0 : i32
      %dma_wait3A_78 = arith.constant 0 : i32
      %dma_wait3A_79 = tpu.memref_slice %arg3[%dma_wait3A_77, %dma_wait3A_78] : memref<1000000x64xf32, #tpu.memory_space<hbm>> -> memref<100x64xf32, #tpu.memory_space<hbm>>
      tpu.wait_dma2 semaphore(%arg9 : memref<!tpu.dma_semaphore, #tpu.memory_space<semaphore_mem>>) src(%dma_wait3A_79 : memref<100x64xf32, #tpu.memory_space<hbm>>) dst(%dma_wait3A_76 : memref<100x64xf32, #tpu.memory_space<vmem>>)
      %dma_wait3A_80 = arith.constant 1 : i32
      %dma_wait3A_81 = arith.constant 0 : i32
      %dma_wait3A_82 = arith.constant 0 : i32
      %dma_wait3A_83 = tpu.memref_slice %arg6[%dma_wait3A_80, %dma_wait3A_81, %dma_wait3A_82] : memref<2x100x64xf32, #tpu.memory_space<vmem>> -> memref<1x100x64xf32, #tpu.memory_space<vmem>>
      %dma_wait3A_84 = tpu.memref_squeeze %dma_wait3A_83 : memref<1x100x64xf32, #tpu.memory_space<vmem>> -> memref<100x64xf32, #tpu.memory_space<vmem>>
      %dma_wait3A_85 = arith.constant 0 : i32
      %dma_wait3A_86 = arith.constant 0 : i32
      %dma_wait3A_87 = tpu.memref_slice %arg3[%dma_wait3A_85, %dma_wait3A_86] : memref<1000000x64xf32, #tpu.memory_space<hbm>> -> memref<100x64xf32, #tpu.memory_space<hbm>>
      %dma_wait3A_88 = arith.constant 0 : i32
      %dma_wait3A_89 = arith.constant 0 : i32
      %dma_wait3A_90 = tpu.memref_slice %arg6[%dma_wait3A_80, %dma_wait3A_88, %dma_wait3A_89] : memref<2x100x64xf32, #tpu.memory_space<vmem>> -> memref<1x100x64xf32, #tpu.memory_space<vmem>>
      %dma_wait3A_91 = tpu.memref_squeeze %dma_wait3A_90 : memref<1x100x64xf32, #tpu.memory_space<vmem>> -> memref<100x64xf32, #tpu.memory_space<vmem>>
      %dma_wait3A_92 = arith.constant 0 : i32
      %dma_wait3A_93 = arith.constant 0 : i32
      %dma_wait3A_94 = tpu.memref_slice %arg3[%dma_wait3A_92, %dma_wait3A_93] : memref<1000000x64xf32, #tpu.memory_space<hbm>> -> memref<100x64xf32, #tpu.memory_space<hbm>>
      tpu.wait_dma2 semaphore(%arg9 : memref<!tpu.dma_semaphore, #tpu.memory_space<semaphore_mem>>) src(%dma_wait3A_94 : memref<100x64xf32, #tpu.memory_space<hbm>>) dst(%dma_wait3A_91 : memref<100x64xf32, #tpu.memory_space<vmem>>)
      %broadcast_in_dim3A = arith.constant 0.000000e+00 : f32
      %broadcast_in_dim3A_95 = vector.broadcast %broadcast_in_dim3A : f32 to vector<16xf32>
      %broadcast_in_dim3A_96 = arith.constant 0.000000e+00 : f32
      %broadcast_in_dim3A_97 = vector.broadcast %broadcast_in_dim3A_96 : f32 to vector<16xf32>
      %broadcast_in_dim3A_98 = arith.constant 0.000000e+00 : f32
      %broadcast_in_dim3A_99 = vector.broadcast %broadcast_in_dim3A_98 : f32 to vector<16xf32>
      %broadcast_in_dim3A_100 = arith.constant 0.000000e+00 : f32
      %broadcast_in_dim3A_101 = vector.broadcast %broadcast_in_dim3A_100 : f32 to vector<16xf32>
      %scan3A_102 = arith.constant 0 : i32
      %scan3A_103 = arith.constant 25 : i32
      %scan3A_104 = arith.addi %scan3A_102, %scan3A_103 : i32
      %scan3A_105 = arith.constant 1 : i32
      %scan3A_106:4 = scf.for %scan3A_219 = %scan3A_102 to %scan3A_104 step %scan3A_105 iter_args(%scan3A_220 = %broadcast_in_dim3A_95, %scan3A_221 = %broadcast_in_dim3A_97, %scan3A_222 = %broadcast_in_dim3A_99, %scan3A_223 = %broadcast_in_dim3A_101) -> (vector<16xf32>, vector<16xf32>, vector<16xf32>, vector<16xf32>)  : i32 {
        %mul3A_224 = arith.constant 4 : i32
        %mul3A_225 = arith.muli %scan3A_219, %mul3A_224 : i32
        %add3A_226 = arith.constant 0 : i32
        %add3A_227 = arith.addi %mul3A_225, %add3A_226 : i32
        %get3A = arith.constant 0 : i32
        %get3A_228 = arith.index_cast %get3A : i32 to index
        %get3A_229 = arith.index_cast %add3A_227 : i32 to index
        %get3A_230 = arith.constant 0 : index
        %get3A_231 = tpu.vector_load %arg6[%get3A_228, %get3A_229, %get3A_230] {strides = array<i32>} : memref<2x100x64xf32, #tpu.memory_space<vmem>>, vector<1x1x16xf32>,
        %get3A_232 = vector.shape_cast %get3A_231 : vector<1x1x16xf32> to vector<16xf32>
        %add3A_233 = arith.addf %scan3A_220, %get3A_232 : vector<16xf32>
        %mul3A_234 = arith.constant 4 : i32
        %mul3A_235 = arith.muli %scan3A_219, %mul3A_234 : i32
        %add3A_236 = arith.constant 0 : i32
        %add3A_237 = arith.addi %mul3A_235, %add3A_236 : i32
        %get3A_238 = arith.constant 0 : i32
        %get3A_239 = arith.index_cast %get3A_238 : i32 to index
        %get3A_240 = arith.index_cast %add3A_237 : i32 to index
        %get3A_241 = arith.constant 16 : index
        %get3A_242 = tpu.vector_load %arg6[%get3A_239, %get3A_240, %get3A_241] {strides = array<i32>} : memref<2x100x64xf32, #tpu.memory_space<vmem>>, vector<1x1x16xf32>,
        %get3A_243 = vector.shape_cast %get3A_242 : vector<1x1x16xf32> to vector<16xf32>
        %add3A_244 = arith.addf %scan3A_221, %get3A_243 : vector<16xf32>
        %mul3A_245 = arith.constant 4 : i32
        %mul3A_246 = arith.muli %scan3A_219, %mul3A_245 : i32
        %add3A_247 = arith.constant 0 : i32
        %add3A_248 = arith.addi %mul3A_246, %add3A_247 : i32
        %get3A_249 = arith.constant 0 : i32
        %get3A_250 = arith.index_cast %get3A_249 : i32 to index
        %get3A_251 = arith.index_cast %add3A_248 : i32 to index
        %get3A_252 = arith.constant 32 : index
        %get3A_253 = tpu.vector_load %arg6[%get3A_250, %get3A_251, %get3A_252] {strides = array<i32>} : memref<2x100x64xf32, #tpu.memory_space<vmem>>, vector<1x1x16xf32>,
        %get3A_254 = vector.shape_cast %get3A_253 : vector<1x1x16xf32> to vector<16xf32>
        %add3A_255 = arith.addf %scan3A_222, %get3A_254 : vector<16xf32>
        %mul3A_256 = arith.constant 4 : i32
        %mul3A_257 = arith.muli %scan3A_219, %mul3A_256 : i32
        %add3A_258 = arith.constant 0 : i32
        %add3A_259 = arith.addi %mul3A_257, %add3A_258 : i32
        %get3A_260 = arith.constant 0 : i32
        %get3A_261 = arith.index_cast %get3A_260 : i32 to index
        %get3A_262 = arith.index_cast %add3A_259 : i32 to index
        %get3A_263 = arith.constant 48 : index
        %get3A_264 = tpu.vector_load %arg6[%get3A_261, %get3A_262, %get3A_263] {strides = array<i32>} : memref<2x100x64xf32, #tpu.memory_space<vmem>>, vector<1x1x16xf32>,
        %get3A_265 = vector.shape_cast %get3A_264 : vector<1x1x16xf32> to vector<16xf32>
        %add3A_266 = arith.addf %scan3A_223, %get3A_265 : vector<16xf32>
        %mul3A_267 = arith.constant 4 : i32
        %mul3A_268 = arith.muli %scan3A_219, %mul3A_267 : i32
        %add3A_269 = arith.constant 1 : i32
        %add3A_270 = arith.addi %mul3A_268, %add3A_269 : i32
        %get3A_271 = arith.constant 0 : i32
        %get3A_272 = arith.index_cast %get3A_271 : i32 to index
        %get3A_273 = arith.index_cast %add3A_270 : i32 to index
        %get3A_274 = arith.constant 0 : index
        %get3A_275 = tpu.vector_load %arg6[%get3A_272, %get3A_273, %get3A_274] {strides = array<i32>} : memref<2x100x64xf32, #tpu.memory_space<vmem>>, vector<1x1x16xf32>,
        %get3A_276 = vector.shape_cast %get3A_275 : vector<1x1x16xf32> to vector<16xf32>
        %add3A_277 = arith.addf %add3A_233, %get3A_276 : vector<16xf32>
        %mul3A_278 = arith.constant 4 : i32
        %mul3A_279 = arith.muli %scan3A_219, %mul3A_278 : i32
        %add3A_280 = arith.constant 1 : i32
        %add3A_281 = arith.addi %mul3A_279, %add3A_280 : i32
        %get3A_282 = arith.constant 0 : i32
        %get3A_283 = arith.index_cast %get3A_282 : i32 to index
        %get3A_284 = arith.index_cast %add3A_281 : i32 to index
        %get3A_285 = arith.constant 16 : index
        %get3A_286 = tpu.vector_load %arg6[%get3A_283, %get3A_284, %get3A_285] {strides = array<i32>} : memref<2x100x64xf32, #tpu.memory_space<vmem>>, vector<1x1x16xf32>,
        %get3A_287 = vector.shape_cast %get3A_286 : vector<1x1x16xf32> to vector<16xf32>
        %add3A_288 = arith.addf %add3A_244, %get3A_287 : vector<16xf32>
        %mul3A_289 = arith.constant 4 : i32
        %mul3A_290 = arith.muli %scan3A_219, %mul3A_289 : i32
        %add3A_291 = arith.constant 1 : i32
        %add3A_292 = arith.addi %mul3A_290, %add3A_291 : i32
        %get3A_293 = arith.constant 0 : i32
        %get3A_294 = arith.index_cast %get3A_293 : i32 to index
        %get3A_295 = arith.index_cast %add3A_292 : i32 to index
        %get3A_296 = arith.constant 32 : index
        %get3A_297 = tpu.vector_load %arg6[%get3A_294, %get3A_295, %get3A_296] {strides = array<i32>} : memref<2x100x64xf32, #tpu.memory_space<vmem>>, vector<1x1x16xf32>,
        %get3A_298 = vector.shape_cast %get3A_297 : vector<1x1x16xf32> to vector<16xf32>
        %add3A_299 = arith.addf %add3A_255, %get3A_298 : vector<16xf32>
        %mul3A_300 = arith.constant 4 : i32
        %mul3A_301 = arith.muli %scan3A_219, %mul3A_300 : i32
        %add3A_302 = arith.constant 1 : i32
        %add3A_303 = arith.addi %mul3A_301, %add3A_302 : i32
        %get3A_304 = arith.constant 0 : i32
        %get3A_305 = arith.index_cast %get3A_304 : i32 to index
        %get3A_306 = arith.index_cast %add3A_303 : i32 to index
        %get3A_307 = arith.constant 48 : index
        %get3A_308 = tpu.vector_load %arg6[%get3A_305, %get3A_306, %get3A_307] {strides = array<i32>} : memref<2x100x64xf32, #tpu.memory_space<vmem>>, vector<1x1x16xf32>,
        %get3A_309 = vector.shape_cast %get3A_308 : vector<1x1x16xf32> to vector<16xf32>
        %add3A_310 = arith.addf %add3A_266, %get3A_309 : vector<16xf32>
        %mul3A_311 = arith.constant 4 : i32
        %mul3A_312 = arith.muli %scan3A_219, %mul3A_311 : i32
        %add3A_313 = arith.constant 2 : i32
        %add3A_314 = arith.addi %mul3A_312, %add3A_313 : i32
        %get3A_315 = arith.constant 0 : i32
        %get3A_316 = arith.index_cast %get3A_315 : i32 to index
        %get3A_317 = arith.index_cast %add3A_314 : i32 to index
        %get3A_318 = arith.constant 0 : index
        %get3A_319 = tpu.vector_load %arg6[%get3A_316, %get3A_317, %get3A_318] {strides = array<i32>} : memref<2x100x64xf32, #tpu.memory_space<vmem>>, vector<1x1x16xf32>,
        %get3A_320 = vector.shape_cast %get3A_319 : vector<1x1x16xf32> to vector<16xf32>
        %add3A_321 = arith.addf %add3A_277, %get3A_320 : vector<16xf32>
        %mul3A_322 = arith.constant 4 : i32
        %mul3A_323 = arith.muli %scan3A_219, %mul3A_322 : i32
        %add3A_324 = arith.constant 2 : i32
        %add3A_325 = arith.addi %mul3A_323, %add3A_324 : i32
        %get3A_326 = arith.constant 0 : i32
        %get3A_327 = arith.index_cast %get3A_326 : i32 to index
        %get3A_328 = arith.index_cast %add3A_325 : i32 to index
        %get3A_329 = arith.constant 16 : index
        %get3A_330 = tpu.vector_load %arg6[%get3A_327, %get3A_328, %get3A_329] {strides = array<i32>} : memref<2x100x64xf32, #tpu.memory_space<vmem>>, vector<1x1x16xf32>,
        %get3A_331 = vector.shape_cast %get3A_330 : vector<1x1x16xf32> to vector<16xf32>
        %add3A_332 = arith.addf %add3A_288, %get3A_331 : vector<16xf32>
        %mul3A_333 = arith.constant 4 : i32
        %mul3A_334 = arith.muli %scan3A_219, %mul3A_333 : i32
        %add3A_335 = arith.constant 2 : i32
        %add3A_336 = arith.addi %mul3A_334, %add3A_335 : i32
        %get3A_337 = arith.constant 0 : i32
        %get3A_338 = arith.index_cast %get3A_337 : i32 to index
        %get3A_339 = arith.index_cast %add3A_336 : i32 to index
        %get3A_340 = arith.constant 32 : index
        %get3A_341 = tpu.vector_load %arg6[%get3A_338, %get3A_339, %get3A_340] {strides = array<i32>} : memref<2x100x64xf32, #tpu.memory_space<vmem>>, vector<1x1x16xf32>,
        %get3A_342 = vector.shape_cast %get3A_341 : vector<1x1x16xf32> to vector<16xf32>
        %add3A_343 = arith.addf %add3A_299, %get3A_342 : vector<16xf32>
        %mul3A_344 = arith.constant 4 : i32
        %mul3A_345 = arith.muli %scan3A_219, %mul3A_344 : i32
        %add3A_346 = arith.constant 2 : i32
        %add3A_347 = arith.addi %mul3A_345, %add3A_346 : i32
        %get3A_348 = arith.constant 0 : i32
        %get3A_349 = arith.index_cast %get3A_348 : i32 to index
        %get3A_350 = arith.index_cast %add3A_347 : i32 to index
        %get3A_351 = arith.constant 48 : index
        %get3A_352 = tpu.vector_load %arg6[%get3A_349, %get3A_350, %get3A_351] {strides = array<i32>} : memref<2x100x64xf32, #tpu.memory_space<vmem>>, vector<1x1x16xf32>,
        %get3A_353 = vector.shape_cast %get3A_352 : vector<1x1x16xf32> to vector<16xf32>
        %add3A_354 = arith.addf %add3A_310, %get3A_353 : vector<16xf32>
        %mul3A_355 = arith.constant 4 : i32
        %mul3A_356 = arith.muli %scan3A_219, %mul3A_355 : i32
        %add3A_357 = arith.constant 3 : i32
        %add3A_358 = arith.addi %mul3A_356, %add3A_357 : i32
        %get3A_359 = arith.constant 0 : i32
        %get3A_360 = arith.index_cast %get3A_359 : i32 to index
        %get3A_361 = arith.index_cast %add3A_358 : i32 to index
        %get3A_362 = arith.constant 0 : index
        %get3A_363 = tpu.vector_load %arg6[%get3A_360, %get3A_361, %get3A_362] {strides = array<i32>} : memref<2x100x64xf32, #tpu.memory_space<vmem>>, vector<1x1x16xf32>,
        %get3A_364 = vector.shape_cast %get3A_363 : vector<1x1x16xf32> to vector<16xf32>
        %add3A_365 = arith.addf %add3A_321, %get3A_364 : vector<16xf32>
        %mul3A_366 = arith.constant 4 : i32
        %mul3A_367 = arith.muli %scan3A_219, %mul3A_366 : i32
        %add3A_368 = arith.constant 3 : i32
        %add3A_369 = arith.addi %mul3A_367, %add3A_368 : i32
        %get3A_370 = arith.constant 0 : i32
        %get3A_371 = arith.index_cast %get3A_370 : i32 to index
        %get3A_372 = arith.index_cast %add3A_369 : i32 to index
        %get3A_373 = arith.constant 16 : index
        %get3A_374 = tpu.vector_load %arg6[%get3A_371, %get3A_372, %get3A_373] {strides = array<i32>} : memref<2x100x64xf32, #tpu.memory_space<vmem>>, vector<1x1x16xf32>,
        %get3A_375 = vector.shape_cast %get3A_374 : vector<1x1x16xf32> to vector<16xf32>
        %add3A_376 = arith.addf %add3A_332, %get3A_375 : vector<16xf32>
        %mul3A_377 = arith.constant 4 : i32
        %mul3A_378 = arith.muli %scan3A_219, %mul3A_377 : i32
        %add3A_379 = arith.constant 3 : i32
        %add3A_380 = arith.addi %mul3A_378, %add3A_379 : i32
        %get3A_381 = arith.constant 0 : i32
        %get3A_382 = arith.index_cast %get3A_381 : i32 to index
        %get3A_383 = arith.index_cast %add3A_380 : i32 to index
        %get3A_384 = arith.constant 32 : index
        %get3A_385 = tpu.vector_load %arg6[%get3A_382, %get3A_383, %get3A_384] {strides = array<i32>} : memref<2x100x64xf32, #tpu.memory_space<vmem>>, vector<1x1x16xf32>,
        %get3A_386 = vector.shape_cast %get3A_385 : vector<1x1x16xf32> to vector<16xf32>
        %add3A_387 = arith.addf %add3A_343, %get3A_386 : vector<16xf32>
        %mul3A_388 = arith.constant 4 : i32
        %mul3A_389 = arith.muli %scan3A_219, %mul3A_388 : i32
        %add3A_390 = arith.constant 3 : i32
        %add3A_391 = arith.addi %mul3A_389, %add3A_390 : i32
        %get3A_392 = arith.constant 0 : i32
        %get3A_393 = arith.index_cast %get3A_392 : i32 to index
        %get3A_394 = arith.index_cast %add3A_391 : i32 to index
        %get3A_395 = arith.constant 48 : index
        %get3A_396 = tpu.vector_load %arg6[%get3A_393, %get3A_394, %get3A_395] {strides = array<i32>} : memref<2x100x64xf32, #tpu.memory_space<vmem>>, vector<1x1x16xf32>,
        %get3A_397 = vector.shape_cast %get3A_396 : vector<1x1x16xf32> to vector<16xf32>
        %add3A_398 = arith.addf %add3A_354, %get3A_397 : vector<16xf32>
        scf.yield %add3A_365, %add3A_376, %add3A_387, %add3A_398 : vector<16xf32>, vector<16xf32>, vector<16xf32>, vector<16xf32>
      }
      %scan3A_107 = arith.constant 25 : i32
      %scan3A_108 = arith.constant 0 : i32
      %scan3A_109 = arith.constant 25 : i32
      %scan3A_110 = arith.addi %scan3A_108, %scan3A_109 : i32
      %scan3A_111 = arith.constant 1 : i32
      %scan3A_112:4 = scf.for %scan3A_219 = %scan3A_108 to %scan3A_110 step %scan3A_111 iter_args(%scan3A_220 = %scan3A_106#0, %scan3A_221 = %scan3A_106#1, %scan3A_222 = %scan3A_106#2, %scan3A_223 = %scan3A_106#3) -> (vector<16xf32>, vector<16xf32>, vector<16xf32>, vector<16xf32>)  : i32 {
        %mul3A_224 = arith.constant 4 : i32
        %mul3A_225 = arith.muli %scan3A_219, %mul3A_224 : i32
        %add3A_226 = arith.constant 0 : i32
        %add3A_227 = arith.addi %mul3A_225, %add3A_226 : i32
        %get3A = arith.constant 1 : i32
        %get3A_228 = arith.index_cast %get3A : i32 to index
        %get3A_229 = arith.index_cast %add3A_227 : i32 to index
        %get3A_230 = arith.constant 0 : index
        %get3A_231 = tpu.vector_load %arg6[%get3A_228, %get3A_229, %get3A_230] {strides = array<i32>} : memref<2x100x64xf32, #tpu.memory_space<vmem>>, vector<1x1x16xf32>,
        %get3A_232 = vector.shape_cast %get3A_231 : vector<1x1x16xf32> to vector<16xf32>
        %add3A_233 = arith.addf %scan3A_220, %get3A_232 : vector<16xf32>
        %mul3A_234 = arith.constant 4 : i32
        %mul3A_235 = arith.muli %scan3A_219, %mul3A_234 : i32
        %add3A_236 = arith.constant 0 : i32
        %add3A_237 = arith.addi %mul3A_235, %add3A_236 : i32
        %get3A_238 = arith.constant 1 : i32
        %get3A_239 = arith.index_cast %get3A_238 : i32 to index
        %get3A_240 = arith.index_cast %add3A_237 : i32 to index
        %get3A_241 = arith.constant 16 : index
        %get3A_242 = tpu.vector_load %arg6[%get3A_239, %get3A_240, %get3A_241] {strides = array<i32>} : memref<2x100x64xf32, #tpu.memory_space<vmem>>, vector<1x1x16xf32>,
        %get3A_243 = vector.shape_cast %get3A_242 : vector<1x1x16xf32> to vector<16xf32>
        %add3A_244 = arith.addf %scan3A_221, %get3A_243 : vector<16xf32>
        %mul3A_245 = arith.constant 4 : i32
        %mul3A_246 = arith.muli %scan3A_219, %mul3A_245 : i32
        %add3A_247 = arith.constant 0 : i32
        %add3A_248 = arith.addi %mul3A_246, %add3A_247 : i32
        %get3A_249 = arith.constant 1 : i32
        %get3A_250 = arith.index_cast %get3A_249 : i32 to index
        %get3A_251 = arith.index_cast %add3A_248 : i32 to index
        %get3A_252 = arith.constant 32 : index
        %get3A_253 = tpu.vector_load %arg6[%get3A_250, %get3A_251, %get3A_252] {strides = array<i32>} : memref<2x100x64xf32, #tpu.memory_space<vmem>>, vector<1x1x16xf32>,
        %get3A_254 = vector.shape_cast %get3A_253 : vector<1x1x16xf32> to vector<16xf32>
        %add3A_255 = arith.addf %scan3A_222, %get3A_254 : vector<16xf32>
        %mul3A_256 = arith.constant 4 : i32
        %mul3A_257 = arith.muli %scan3A_219, %mul3A_256 : i32
        %add3A_258 = arith.constant 0 : i32
        %add3A_259 = arith.addi %mul3A_257, %add3A_258 : i32
        %get3A_260 = arith.constant 1 : i32
        %get3A_261 = arith.index_cast %get3A_260 : i32 to index
        %get3A_262 = arith.index_cast %add3A_259 : i32 to index
        %get3A_263 = arith.constant 48 : index
        %get3A_264 = tpu.vector_load %arg6[%get3A_261, %get3A_262, %get3A_263] {strides = array<i32>} : memref<2x100x64xf32, #tpu.memory_space<vmem>>, vector<1x1x16xf32>,
        %get3A_265 = vector.shape_cast %get3A_264 : vector<1x1x16xf32> to vector<16xf32>
        %add3A_266 = arith.addf %scan3A_223, %get3A_265 : vector<16xf32>
        %mul3A_267 = arith.constant 4 : i32
        %mul3A_268 = arith.muli %scan3A_219, %mul3A_267 : i32
        %add3A_269 = arith.constant 1 : i32
        %add3A_270 = arith.addi %mul3A_268, %add3A_269 : i32
        %get3A_271 = arith.constant 1 : i32
        %get3A_272 = arith.index_cast %get3A_271 : i32 to index
        %get3A_273 = arith.index_cast %add3A_270 : i32 to index
        %get3A_274 = arith.constant 0 : index
        %get3A_275 = tpu.vector_load %arg6[%get3A_272, %get3A_273, %get3A_274] {strides = array<i32>} : memref<2x100x64xf32, #tpu.memory_space<vmem>>, vector<1x1x16xf32>,
        %get3A_276 = vector.shape_cast %get3A_275 : vector<1x1x16xf32> to vector<16xf32>
        %add3A_277 = arith.addf %add3A_233, %get3A_276 : vector<16xf32>
        %mul3A_278 = arith.constant 4 : i32
        %mul3A_279 = arith.muli %scan3A_219, %mul3A_278 : i32
        %add3A_280 = arith.constant 1 : i32
        %add3A_281 = arith.addi %mul3A_279, %add3A_280 : i32
        %get3A_282 = arith.constant 1 : i32
        %get3A_283 = arith.index_cast %get3A_282 : i32 to index
        %get3A_284 = arith.index_cast %add3A_281 : i32 to index
        %get3A_285 = arith.constant 16 : index
        %get3A_286 = tpu.vector_load %arg6[%get3A_283, %get3A_284, %get3A_285] {strides = array<i32>} : memref<2x100x64xf32, #tpu.memory_space<vmem>>, vector<1x1x16xf32>,
        %get3A_287 = vector.shape_cast %get3A_286 : vector<1x1x16xf32> to vector<16xf32>
        %add3A_288 = arith.addf %add3A_244, %get3A_287 : vector<16xf32>
        %mul3A_289 = arith.constant 4 : i32
        %mul3A_290 = arith.muli %scan3A_219, %mul3A_289 : i32
        %add3A_291 = arith.constant 1 : i32
        %add3A_292 = arith.addi %mul3A_290, %add3A_291 : i32
        %get3A_293 = arith.constant 1 : i32
        %get3A_294 = arith.index_cast %get3A_293 : i32 to index
        %get3A_295 = arith.index_cast %add3A_292 : i32 to index
        %get3A_296 = arith.constant 32 : index
        %get3A_297 = tpu.vector_load %arg6[%get3A_294, %get3A_295, %get3A_296] {strides = array<i32>} : memref<2x100x64xf32, #tpu.memory_space<vmem>>, vector<1x1x16xf32>,
        %get3A_298 = vector.shape_cast %get3A_297 : vector<1x1x16xf32> to vector<16xf32>
        %add3A_299 = arith.addf %add3A_255, %get3A_298 : vector<16xf32>
        %mul3A_300 = arith.constant 4 : i32
        %mul3A_301 = arith.muli %scan3A_219, %mul3A_300 : i32
        %add3A_302 = arith.constant 1 : i32
        %add3A_303 = arith.addi %mul3A_301, %add3A_302 : i32
        %get3A_304 = arith.constant 1 : i32
        %get3A_305 = arith.index_cast %get3A_304 : i32 to index
        %get3A_306 = arith.index_cast %add3A_303 : i32 to index
        %get3A_307 = arith.constant 48 : index
        %get3A_308 = tpu.vector_load %arg6[%get3A_305, %get3A_306, %get3A_307] {strides = array<i32>} : memref<2x100x64xf32, #tpu.memory_space<vmem>>, vector<1x1x16xf32>,
        %get3A_309 = vector.shape_cast %get3A_308 : vector<1x1x16xf32> to vector<16xf32>
        %add3A_310 = arith.addf %add3A_266, %get3A_309 : vector<16xf32>
        %mul3A_311 = arith.constant 4 : i32
        %mul3A_312 = arith.muli %scan3A_219, %mul3A_311 : i32
        %add3A_313 = arith.constant 2 : i32
        %add3A_314 = arith.addi %mul3A_312, %add3A_313 : i32
        %get3A_315 = arith.constant 1 : i32
        %get3A_316 = arith.index_cast %get3A_315 : i32 to index
        %get3A_317 = arith.index_cast %add3A_314 : i32 to index
        %get3A_318 = arith.constant 0 : index
        %get3A_319 = tpu.vector_load %arg6[%get3A_316, %get3A_317, %get3A_318] {strides = array<i32>} : memref<2x100x64xf32, #tpu.memory_space<vmem>>, vector<1x1x16xf32>,
        %get3A_320 = vector.shape_cast %get3A_319 : vector<1x1x16xf32> to vector<16xf32>
        %add3A_321 = arith.addf %add3A_277, %get3A_320 : vector<16xf32>
        %mul3A_322 = arith.constant 4 : i32
        %mul3A_323 = arith.muli %scan3A_219, %mul3A_322 : i32
        %add3A_324 = arith.constant 2 : i32
        %add3A_325 = arith.addi %mul3A_323, %add3A_324 : i32
        %get3A_326 = arith.constant 1 : i32
        %get3A_327 = arith.index_cast %get3A_326 : i32 to index
        %get3A_328 = arith.index_cast %add3A_325 : i32 to index
        %get3A_329 = arith.constant 16 : index
        %get3A_330 = tpu.vector_load %arg6[%get3A_327, %get3A_328, %get3A_329] {strides = array<i32>} : memref<2x100x64xf32, #tpu.memory_space<vmem>>, vector<1x1x16xf32>,
        %get3A_331 = vector.shape_cast %get3A_330 : vector<1x1x16xf32> to vector<16xf32>
        %add3A_332 = arith.addf %add3A_288, %get3A_331 : vector<16xf32>
        %mul3A_333 = arith.constant 4 : i32
        %mul3A_334 = arith.muli %scan3A_219, %mul3A_333 : i32
        %add3A_335 = arith.constant 2 : i32
        %add3A_336 = arith.addi %mul3A_334, %add3A_335 : i32
        %get3A_337 = arith.constant 1 : i32
        %get3A_338 = arith.index_cast %get3A_337 : i32 to index
        %get3A_339 = arith.index_cast %add3A_336 : i32 to index
        %get3A_340 = arith.constant 32 : index
        %get3A_341 = tpu.vector_load %arg6[%get3A_338, %get3A_339, %get3A_340] {strides = array<i32>} : memref<2x100x64xf32, #tpu.memory_space<vmem>>, vector<1x1x16xf32>,
        %get3A_342 = vector.shape_cast %get3A_341 : vector<1x1x16xf32> to vector<16xf32>
        %add3A_343 = arith.addf %add3A_299, %get3A_342 : vector<16xf32>
        %mul3A_344 = arith.constant 4 : i32
        %mul3A_345 = arith.muli %scan3A_219, %mul3A_344 : i32
        %add3A_346 = arith.constant 2 : i32
        %add3A_347 = arith.addi %mul3A_345, %add3A_346 : i32
        %get3A_348 = arith.constant 1 : i32
        %get3A_349 = arith.index_cast %get3A_348 : i32 to index
        %get3A_350 = arith.index_cast %add3A_347 : i32 to index
        %get3A_351 = arith.constant 48 : index
        %get3A_352 = tpu.vector_load %arg6[%get3A_349, %get3A_350, %get3A_351] {strides = array<i32>} : memref<2x100x64xf32, #tpu.memory_space<vmem>>, vector<1x1x16xf32>,
        %get3A_353 = vector.shape_cast %get3A_352 : vector<1x1x16xf32> to vector<16xf32>
        %add3A_354 = arith.addf %add3A_310, %get3A_353 : vector<16xf32>
        %mul3A_355 = arith.constant 4 : i32
        %mul3A_356 = arith.muli %scan3A_219, %mul3A_355 : i32
        %add3A_357 = arith.constant 3 : i32
        %add3A_358 = arith.addi %mul3A_356, %add3A_357 : i32
        %get3A_359 = arith.constant 1 : i32
        %get3A_360 = arith.index_cast %get3A_359 : i32 to index
        %get3A_361 = arith.index_cast %add3A_358 : i32 to index
        %get3A_362 = arith.constant 0 : index
        %get3A_363 = tpu.vector_load %arg6[%get3A_360, %get3A_361, %get3A_362] {strides = array<i32>} : memref<2x100x64xf32, #tpu.memory_space<vmem>>, vector<1x1x16xf32>,
        %get3A_364 = vector.shape_cast %get3A_363 : vector<1x1x16xf32> to vector<16xf32>
        %add3A_365 = arith.addf %add3A_321, %get3A_364 : vector<16xf32>
        %mul3A_366 = arith.constant 4 : i32
        %mul3A_367 = arith.muli %scan3A_219, %mul3A_366 : i32
        %add3A_368 = arith.constant 3 : i32
        %add3A_369 = arith.addi %mul3A_367, %add3A_368 : i32
        %get3A_370 = arith.constant 1 : i32
        %get3A_371 = arith.index_cast %get3A_370 : i32 to index
        %get3A_372 = arith.index_cast %add3A_369 : i32 to index
        %get3A_373 = arith.constant 16 : index
        %get3A_374 = tpu.vector_load %arg6[%get3A_371, %get3A_372, %get3A_373] {strides = array<i32>} : memref<2x100x64xf32, #tpu.memory_space<vmem>>, vector<1x1x16xf32>,
        %get3A_375 = vector.shape_cast %get3A_374 : vector<1x1x16xf32> to vector<16xf32>
        %add3A_376 = arith.addf %add3A_332, %get3A_375 : vector<16xf32>
        %mul3A_377 = arith.constant 4 : i32
        %mul3A_378 = arith.muli %scan3A_219, %mul3A_377 : i32
        %add3A_379 = arith.constant 3 : i32
        %add3A_380 = arith.addi %mul3A_378, %add3A_379 : i32
        %get3A_381 = arith.constant 1 : i32
        %get3A_382 = arith.index_cast %get3A_381 : i32 to index
        %get3A_383 = arith.index_cast %add3A_380 : i32 to index
        %get3A_384 = arith.constant 32 : index
        %get3A_385 = tpu.vector_load %arg6[%get3A_382, %get3A_383, %get3A_384] {strides = array<i32>} : memref<2x100x64xf32, #tpu.memory_space<vmem>>, vector<1x1x16xf32>,
        %get3A_386 = vector.shape_cast %get3A_385 : vector<1x1x16xf32> to vector<16xf32>
        %add3A_387 = arith.addf %add3A_343, %get3A_386 : vector<16xf32>
        %mul3A_388 = arith.constant 4 : i32
        %mul3A_389 = arith.muli %scan3A_219, %mul3A_388 : i32
        %add3A_390 = arith.constant 3 : i32
        %add3A_391 = arith.addi %mul3A_389, %add3A_390 : i32
        %get3A_392 = arith.constant 1 : i32
        %get3A_393 = arith.index_cast %get3A_392 : i32 to index
        %get3A_394 = arith.index_cast %add3A_391 : i32 to index
        %get3A_395 = arith.constant 48 : index
        %get3A_396 = tpu.vector_load %arg6[%get3A_393, %get3A_394, %get3A_395] {strides = array<i32>} : memref<2x100x64xf32, #tpu.memory_space<vmem>>, vector<1x1x16xf32>,
        %get3A_397 = vector.shape_cast %get3A_396 : vector<1x1x16xf32> to vector<16xf32>
        %add3A_398 = arith.addf %add3A_354, %get3A_397 : vector<16xf32>
        scf.yield %add3A_365, %add3A_376, %add3A_387, %add3A_398 : vector<16xf32>, vector<16xf32>, vector<16xf32>, vector<16xf32>
      }
      %scan3A_113 = arith.constant 25 : i32
      %swap3A = arith.index_cast %add3A_65 : i32 to index
      %swap3A_114 = arith.constant 0 : index
      %swap3A_115 = tpu.vector_load %arg8[%swap3A, %swap3A_114] {strides = array<i32>} : memref<128x64xf32, #tpu.memory_space<vmem>>, vector<1x16xf32>,
      %swap3A_116 = vector.shape_cast %swap3A_115 : vector<1x16xf32> to vector<16xf32>
      %swap3A_117 = vector.shape_cast %scan3A_112#0 : vector<16xf32> to vector<1x16xf32>
      tpu.vector_store %arg8[%swap3A, %swap3A_114], %swap3A_117 {strides = array<i32>} : memref<128x64xf32, #tpu.memory_space<vmem>>, vector<1x16xf32>,
      %swap3A_118 = arith.index_cast %add3A_65 : i32 to index
      %swap3A_119 = arith.constant 16 : index
      %swap3A_120 = tpu.vector_load %arg8[%swap3A_118, %swap3A_119] {strides = array<i32>} : memref<128x64xf32, #tpu.memory_space<vmem>>, vector<1x16xf32>,
      %swap3A_121 = vector.shape_cast %swap3A_120 : vector<1x16xf32> to vector<16xf32>
      %swap3A_122 = vector.shape_cast %scan3A_112#1 : vector<16xf32> to vector<1x16xf32>
      tpu.vector_store %arg8[%swap3A_118, %swap3A_119], %swap3A_122 {strides = array<i32>} : memref<128x64xf32, #tpu.memory_space<vmem>>, vector<1x16xf32>,
      %swap3A_123 = arith.index_cast %add3A_65 : i32 to index
      %swap3A_124 = arith.constant 32 : index
      %swap3A_125 = tpu.vector_load %arg8[%swap3A_123, %swap3A_124] {strides = array<i32>} : memref<128x64xf32, #tpu.memory_space<vmem>>, vector<1x16xf32>,
      %swap3A_126 = vector.shape_cast %swap3A_125 : vector<1x16xf32> to vector<16xf32>
      %swap3A_127 = vector.shape_cast %scan3A_112#2 : vector<16xf32> to vector<1x16xf32>
      tpu.vector_store %arg8[%swap3A_123, %swap3A_124], %swap3A_127 {strides = array<i32>} : memref<128x64xf32, #tpu.memory_space<vmem>>, vector<1x16xf32>,
      %swap3A_128 = arith.index_cast %add3A_65 : i32 to index
      %swap3A_129 = arith.constant 48 : index
      %swap3A_130 = tpu.vector_load %arg8[%swap3A_128, %swap3A_129] {strides = array<i32>} : memref<128x64xf32, #tpu.memory_space<vmem>>, vector<1x16xf32>,
      %swap3A_131 = vector.shape_cast %swap3A_130 : vector<1x16xf32> to vector<16xf32>
      %swap3A_132 = vector.shape_cast %scan3A_112#3 : vector<16xf32> to vector<1x16xf32>
      tpu.vector_store %arg8[%swap3A_128, %swap3A_129], %swap3A_132 {strides = array<i32>} : memref<128x64xf32, #tpu.memory_space<vmem>>, vector<1x16xf32>,
      %add3A_133 = arith.constant 2 : i32
      %add3A_134 = arith.addi %add3A_65, %add3A_133 : i32
      %lt3A = arith.constant 128 : i32
      %lt3A_135 = arith.cmpi slt, %add3A_134, %lt3A : i32
      %convert_element_type3A = arith.extui %lt3A_135 : i1 to i32
      %cond3A = arith.constant 0 : i32
      %cond3A_136 = arith.cmpi ne, %convert_element_type3A, %cond3A : i32
      scf.if %cond3A_136 {
        %add3A_219 = arith.constant 2 : i32
        %add3A_220 = arith.addi %add3A_65, %add3A_219 : i32
        %dma_start3A_221 = arith.constant 0 : i32
        %dma_start3A_222 = arith.constant 0 : i32
        %dma_start3A_223 = arith.constant 0 : i32
        %dma_start3A_224 = arith.constant 0 : i32
        %dma_start3A_225 = tpu.memref_slice %arg6[%dma_start3A_222, %dma_start3A_223, %dma_start3A_224] : memref<2x100x64xf32, #tpu.memory_space<vmem>> -> memref<1x100x64xf32, #tpu.memory_space<vmem>>
        %dma_start3A_226 = tpu.memref_squeeze %dma_start3A_225 : memref<1x100x64xf32, #tpu.memory_space<vmem>> -> memref<100x64xf32, #tpu.memory_space<vmem>>
        %dma_start3A_227 = arith.constant 0 : i32
        %dma_start3A_228 = tpu.memref_slice %arg5[%add3A_220, %dma_start3A_221, %dma_start3A_227] : memref<128x2x100xi32, #tpu.memory_space<vmem>> -> memref<1x1x100xi32, #tpu.memory_space<vmem>>
        %dma_start3A_229 = tpu.memref_squeeze %dma_start3A_228 : memref<1x1x100xi32, #tpu.memory_space<vmem>> -> memref<100xi32, #tpu.memory_space<vmem>>
        %dma_start3A_230 = arith.constant 0 : i32
        %dma_start3A_231 = arith.constant 0 : i32
        %dma_start3A_232 = tpu.memref_slice %arg3[%dma_start3A_230, %dma_start3A_231] : memref<1000000x64xf32, #tpu.memory_space<hbm>> -> memref<1000000x64xf32, #tpu.memory_space<hbm>>
        tpu.enqueue_indirect_dma source(%dma_start3A_232 : memref<1000000x64xf32, #tpu.memory_space<hbm>>) target(%dma_start3A_226 : memref<100x64xf32, #tpu.memory_space<vmem>>) offsets(%dma_start3A_229 : memref<100xi32, #tpu.memory_space<vmem>>) semaphore(%arg9 : memref<!tpu.dma_semaphore, #tpu.memory_space<semaphore_mem>>)
        %dma_start3A_233 = arith.constant 1 : i32
        %dma_start3A_234 = arith.constant 1 : i32
        %dma_start3A_235 = arith.constant 0 : i32
        %dma_start3A_236 = arith.constant 0 : i32
        %dma_start3A_237 = tpu.memref_slice %arg6[%dma_start3A_234, %dma_start3A_235, %dma_start3A_236] : memref<2x100x64xf32, #tpu.memory_space<vmem>> -> memref<1x100x64xf32, #tpu.memory_space<vmem>>
        %dma_start3A_238 = tpu.memref_squeeze %dma_start3A_237 : memref<1x100x64xf32, #tpu.memory_space<vmem>> -> memref<100x64xf32, #tpu.memory_space<vmem>>
        %dma_start3A_239 = arith.constant 0 : i32
        %dma_start3A_240 = tpu.memref_slice %arg5[%add3A_220, %dma_start3A_233, %dma_start3A_239] : memref<128x2x100xi32, #tpu.memory_space<vmem>> -> memref<1x1x100xi32, #tpu.memory_space<vmem>>
        %dma_start3A_241 = tpu.memref_squeeze %dma_start3A_240 : memref<1x1x100xi32, #tpu.memory_space<vmem>> -> memref<100xi32, #tpu.memory_space<vmem>>
        %dma_start3A_242 = arith.constant 0 : i32
        %dma_start3A_243 = arith.constant 0 : i32
        %dma_start3A_244 = tpu.memref_slice %arg3[%dma_start3A_242, %dma_start3A_243] : memref<1000000x64xf32, #tpu.memory_space<hbm>> -> memref<1000000x64xf32, #tpu.memory_space<hbm>>
        tpu.enqueue_indirect_dma source(%dma_start3A_244 : memref<1000000x64xf32, #tpu.memory_space<hbm>>) target(%dma_start3A_238 : memref<100x64xf32, #tpu.memory_space<vmem>>) offsets(%dma_start3A_241 : memref<100xi32, #tpu.memory_space<vmem>>) semaphore(%arg9 : memref<!tpu.dma_semaphore, #tpu.memory_space<semaphore_mem>>)
      } else {
      }
      %mul3A_137 = arith.constant 2 : i32
      %mul3A_138 = arith.muli %mul3A_137, %scan3A_60 : i32
      %add3A_139 = arith.constant 1 : i32
      %add3A_140 = arith.addi %mul3A_138, %add3A_139 : i32
      %dma_wait3A_141 = arith.constant 0 : i32
      %dma_wait3A_142 = arith.constant 0 : i32
      %dma_wait3A_143 = arith.constant 0 : i32
      %dma_wait3A_144 = tpu.memref_slice %arg7[%dma_wait3A_141, %dma_wait3A_142, %dma_wait3A_143] : memref<2x100x64xf32, #tpu.memory_space<vmem>> -> memref<1x100x64xf32, #tpu.memory_space<vmem>>
      %dma_wait3A_145 = tpu.memref_squeeze %dma_wait3A_144 : memref<1x100x64xf32, #tpu.memory_space<vmem>> -> memref<100x64xf32, #tpu.memory_space<vmem>>
      %dma_wait3A_146 = arith.constant 0 : i32
      %dma_wait3A_147 = arith.constant 0 : i32
      %dma_wait3A_148 = tpu.memref_slice %arg3[%dma_wait3A_146, %dma_wait3A_147] : memref<1000000x64xf32, #tpu.memory_space<hbm>> -> memref<100x64xf32, #tpu.memory_space<hbm>>
      %dma_wait3A_149 = arith.constant 0 : i32
      %dma_wait3A_150 = arith.constant 0 : i32
      %dma_wait3A_151 = tpu.memref_slice %arg7[%dma_wait3A_141, %dma_wait3A_149, %dma_wait3A_150] : memref<2x100x64xf32, #tpu.memory_space<vmem>> -> memref<1x100x64xf32, #tpu.memory_space<vmem>>
      %dma_wait3A_152 = tpu.memref_squeeze %dma_wait3A_151 : memref<1x100x64xf32, #tpu.memory_space<vmem>> -> memref<100x64xf32, #tpu.memory_space<vmem>>
      %dma_wait3A_153 = arith.constant 0 : i32
      %dma_wait3A_154 = arith.constant 0 : i32
      %dma_wait3A_155 = tpu.memref_slice %arg3[%dma_wait3A_153, %dma_wait3A_154] : memref<1000000x64xf32, #tpu.memory_space<hbm>> -> memref<100x64xf32, #tpu.memory_space<hbm>>
      tpu.wait_dma2 semaphore(%arg10 : memref<!tpu.dma_semaphore, #tpu.memory_space<semaphore_mem>>) src(%dma_wait3A_155 : memref<100x64xf32, #tpu.memory_space<hbm>>) dst(%dma_wait3A_152 : memref<100x64xf32, #tpu.memory_space<vmem>>)
      %dma_wait3A_156 = arith.constant 1 : i32
      %dma_wait3A_157 = arith.constant 0 : i32
      %dma_wait3A_158 = arith.constant 0 : i32
      %dma_wait3A_159 = tpu.memref_slice %arg7[%dma_wait3A_156, %dma_wait3A_157, %dma_wait3A_158] : memref<2x100x64xf32, #tpu.memory_space<vmem>> -> memref<1x100x64xf32, #tpu.memory_space<vmem>>
      %dma_wait3A_160 = tpu.memref_squeeze %dma_wait3A_159 : memref<1x100x64xf32, #tpu.memory_space<vmem>> -> memref<100x64xf32, #tpu.memory_space<vmem>>
      %dma_wait3A_161 = arith.constant 0 : i32
      %dma_wait3A_162 = arith.constant 0 : i32
      %dma_wait3A_163 = tpu.memref_slice %arg3[%dma_wait3A_161, %dma_wait3A_162] : memref<1000000x64xf32, #tpu.memory_space<hbm>> -> memref<100x64xf32, #tpu.memory_space<hbm>>
      %dma_wait3A_164 = arith.constant 0 : i32
      %dma_wait3A_165 = arith.constant 0 : i32
      %dma_wait3A_166 = tpu.memref_slice %arg7[%dma_wait3A_156, %dma_wait3A_164, %dma_wait3A_165] : memref<2x100x64xf32, #tpu.memory_space<vmem>> -> memref<1x100x64xf32, #tpu.memory_space<vmem>>
      %dma_wait3A_167 = tpu.memref_squeeze %dma_wait3A_166 : memref<1x100x64xf32, #tpu.memory_space<vmem>> -> memref<100x64xf32, #tpu.memory_space<vmem>>
      %dma_wait3A_168 = arith.constant 0 : i32
      %dma_wait3A_169 = arith.constant 0 : i32
      %dma_wait3A_170 = tpu.memref_slice %arg3[%dma_wait3A_168, %dma_wait3A_169] : memref<1000000x64xf32, #tpu.memory_space<hbm>> -> memref<100x64xf32, #tpu.memory_space<hbm>>
      tpu.wait_dma2 semaphore(%arg10 : memref<!tpu.dma_semaphore, #tpu.memory_space<semaphore_mem>>) src(%dma_wait3A_170 : memref<100x64xf32, #tpu.memory_space<hbm>>) dst(%dma_wait3A_167 : memref<100x64xf32, #tpu.memory_space<vmem>>)
      %broadcast_in_dim3A_171 = arith.constant 0.000000e+00 : f32
      %broadcast_in_dim3A_172 = vector.broadcast %broadcast_in_dim3A_171 : f32 to vector<16xf32>
      %broadcast_in_dim3A_173 = arith.constant 0.000000e+00 : f32
      %broadcast_in_dim3A_174 = vector.broadcast %broadcast_in_dim3A_173 : f32 to vector<16xf32>
      %broadcast_in_dim3A_175 = arith.constant 0.000000e+00 : f32
      %broadcast_in_dim3A_176 = vector.broadcast %broadcast_in_dim3A_175 : f32 to vector<16xf32>
      %broadcast_in_dim3A_177 = arith.constant 0.000000e+00 : f32
      %broadcast_in_dim3A_178 = vector.broadcast %broadcast_in_dim3A_177 : f32 to vector<16xf32>
      %scan3A_179 = arith.constant 0 : i32
      %scan3A_180 = arith.constant 25 : i32
      %scan3A_181 = arith.addi %scan3A_179, %scan3A_180 : i32
      %scan3A_182 = arith.constant 1 : i32
      %scan3A_183:4 = scf.for %scan3A_219 = %scan3A_179 to %scan3A_181 step %scan3A_182 iter_args(%scan3A_220 = %broadcast_in_dim3A_172, %scan3A_221 = %broadcast_in_dim3A_174, %scan3A_222 = %broadcast_in_dim3A_176, %scan3A_223 = %broadcast_in_dim3A_178) -> (vector<16xf32>, vector<16xf32>, vector<16xf32>, vector<16xf32>)  : i32 {
        %mul3A_224 = arith.constant 4 : i32
        %mul3A_225 = arith.muli %scan3A_219, %mul3A_224 : i32
        %add3A_226 = arith.constant 0 : i32
        %add3A_227 = arith.addi %mul3A_225, %add3A_226 : i32
        %get3A = arith.constant 0 : i32
        %get3A_228 = arith.index_cast %get3A : i32 to index
        %get3A_229 = arith.index_cast %add3A_227 : i32 to index
        %get3A_230 = arith.constant 0 : index
        %get3A_231 = tpu.vector_load %arg7[%get3A_228, %get3A_229, %get3A_230] {strides = array<i32>} : memref<2x100x64xf32, #tpu.memory_space<vmem>>, vector<1x1x16xf32>,
        %get3A_232 = vector.shape_cast %get3A_231 : vector<1x1x16xf32> to vector<16xf32>
        %add3A_233 = arith.addf %scan3A_220, %get3A_232 : vector<16xf32>
        %mul3A_234 = arith.constant 4 : i32
        %mul3A_235 = arith.muli %scan3A_219, %mul3A_234 : i32
        %add3A_236 = arith.constant 0 : i32
        %add3A_237 = arith.addi %mul3A_235, %add3A_236 : i32
        %get3A_238 = arith.constant 0 : i32
        %get3A_239 = arith.index_cast %get3A_238 : i32 to index
        %get3A_240 = arith.index_cast %add3A_237 : i32 to index
        %get3A_241 = arith.constant 16 : index
        %get3A_242 = tpu.vector_load %arg7[%get3A_239, %get3A_240, %get3A_241] {strides = array<i32>} : memref<2x100x64xf32, #tpu.memory_space<vmem>>, vector<1x1x16xf32>,
        %get3A_243 = vector.shape_cast %get3A_242 : vector<1x1x16xf32> to vector<16xf32>
        %add3A_244 = arith.addf %scan3A_221, %get3A_243 : vector<16xf32>
        %mul3A_245 = arith.constant 4 : i32
        %mul3A_246 = arith.muli %scan3A_219, %mul3A_245 : i32
        %add3A_247 = arith.constant 0 : i32
        %add3A_248 = arith.addi %mul3A_246, %add3A_247 : i32
        %get3A_249 = arith.constant 0 : i32
        %get3A_250 = arith.index_cast %get3A_249 : i32 to index
        %get3A_251 = arith.index_cast %add3A_248 : i32 to index
        %get3A_252 = arith.constant 32 : index
        %get3A_253 = tpu.vector_load %arg7[%get3A_250, %get3A_251, %get3A_252] {strides = array<i32>} : memref<2x100x64xf32, #tpu.memory_space<vmem>>, vector<1x1x16xf32>,
        %get3A_254 = vector.shape_cast %get3A_253 : vector<1x1x16xf32> to vector<16xf32>
        %add3A_255 = arith.addf %scan3A_222, %get3A_254 : vector<16xf32>
        %mul3A_256 = arith.constant 4 : i32
        %mul3A_257 = arith.muli %scan3A_219, %mul3A_256 : i32
        %add3A_258 = arith.constant 0 : i32
        %add3A_259 = arith.addi %mul3A_257, %add3A_258 : i32
        %get3A_260 = arith.constant 0 : i32
        %get3A_261 = arith.index_cast %get3A_260 : i32 to index
        %get3A_262 = arith.index_cast %add3A_259 : i32 to index
        %get3A_263 = arith.constant 48 : index
        %get3A_264 = tpu.vector_load %arg7[%get3A_261, %get3A_262, %get3A_263] {strides = array<i32>} : memref<2x100x64xf32, #tpu.memory_space<vmem>>, vector<1x1x16xf32>,
        %get3A_265 = vector.shape_cast %get3A_264 : vector<1x1x16xf32> to vector<16xf32>
        %add3A_266 = arith.addf %scan3A_223, %get3A_265 : vector<16xf32>
        %mul3A_267 = arith.constant 4 : i32
        %mul3A_268 = arith.muli %scan3A_219, %mul3A_267 : i32
        %add3A_269 = arith.constant 1 : i32
        %add3A_270 = arith.addi %mul3A_268, %add3A_269 : i32
        %get3A_271 = arith.constant 0 : i32
        %get3A_272 = arith.index_cast %get3A_271 : i32 to index
        %get3A_273 = arith.index_cast %add3A_270 : i32 to index
        %get3A_274 = arith.constant 0 : index
        %get3A_275 = tpu.vector_load %arg7[%get3A_272, %get3A_273, %get3A_274] {strides = array<i32>} : memref<2x100x64xf32, #tpu.memory_space<vmem>>, vector<1x1x16xf32>,
        %get3A_276 = vector.shape_cast %get3A_275 : vector<1x1x16xf32> to vector<16xf32>
        %add3A_277 = arith.addf %add3A_233, %get3A_276 : vector<16xf32>
        %mul3A_278 = arith.constant 4 : i32
        %mul3A_279 = arith.muli %scan3A_219, %mul3A_278 : i32
        %add3A_280 = arith.constant 1 : i32
        %add3A_281 = arith.addi %mul3A_279, %add3A_280 : i32
        %get3A_282 = arith.constant 0 : i32
        %get3A_283 = arith.index_cast %get3A_282 : i32 to index
        %get3A_284 = arith.index_cast %add3A_281 : i32 to index
        %get3A_285 = arith.constant 16 : index
        %get3A_286 = tpu.vector_load %arg7[%get3A_283, %get3A_284, %get3A_285] {strides = array<i32>} : memref<2x100x64xf32, #tpu.memory_space<vmem>>, vector<1x1x16xf32>,
        %get3A_287 = vector.shape_cast %get3A_286 : vector<1x1x16xf32> to vector<16xf32>
        %add3A_288 = arith.addf %add3A_244, %get3A_287 : vector<16xf32>
        %mul3A_289 = arith.constant 4 : i32
        %mul3A_290 = arith.muli %scan3A_219, %mul3A_289 : i32
        %add3A_291 = arith.constant 1 : i32
        %add3A_292 = arith.addi %mul3A_290, %add3A_291 : i32
        %get3A_293 = arith.constant 0 : i32
        %get3A_294 = arith.index_cast %get3A_293 : i32 to index
        %get3A_295 = arith.index_cast %add3A_292 : i32 to index
        %get3A_296 = arith.constant 32 : index
        %get3A_297 = tpu.vector_load %arg7[%get3A_294, %get3A_295, %get3A_296] {strides = array<i32>} : memref<2x100x64xf32, #tpu.memory_space<vmem>>, vector<1x1x16xf32>,
        %get3A_298 = vector.shape_cast %get3A_297 : vector<1x1x16xf32> to vector<16xf32>
        %add3A_299 = arith.addf %add3A_255, %get3A_298 : vector<16xf32>
        %mul3A_300 = arith.constant 4 : i32
        %mul3A_301 = arith.muli %scan3A_219, %mul3A_300 : i32
        %add3A_302 = arith.constant 1 : i32
        %add3A_303 = arith.addi %mul3A_301, %add3A_302 : i32
        %get3A_304 = arith.constant 0 : i32
        %get3A_305 = arith.index_cast %get3A_304 : i32 to index
        %get3A_306 = arith.index_cast %add3A_303 : i32 to index
        %get3A_307 = arith.constant 48 : index
        %get3A_308 = tpu.vector_load %arg7[%get3A_305, %get3A_306, %get3A_307] {strides = array<i32>} : memref<2x100x64xf32, #tpu.memory_space<vmem>>, vector<1x1x16xf32>,
        %get3A_309 = vector.shape_cast %get3A_308 : vector<1x1x16xf32> to vector<16xf32>
        %add3A_310 = arith.addf %add3A_266, %get3A_309 : vector<16xf32>
        %mul3A_311 = arith.constant 4 : i32
        %mul3A_312 = arith.muli %scan3A_219, %mul3A_311 : i32
        %add3A_313 = arith.constant 2 : i32
        %add3A_314 = arith.addi %mul3A_312, %add3A_313 : i32
        %get3A_315 = arith.constant 0 : i32
        %get3A_316 = arith.index_cast %get3A_315 : i32 to index
        %get3A_317 = arith.index_cast %add3A_314 : i32 to index
        %get3A_318 = arith.constant 0 : index
        %get3A_319 = tpu.vector_load %arg7[%get3A_316, %get3A_317, %get3A_318] {strides = array<i32>} : memref<2x100x64xf32, #tpu.memory_space<vmem>>, vector<1x1x16xf32>,
        %get3A_320 = vector.shape_cast %get3A_319 : vector<1x1x16xf32> to vector<16xf32>
        %add3A_321 = arith.addf %add3A_277, %get3A_320 : vector<16xf32>
        %mul3A_322 = arith.constant 4 : i32
        %mul3A_323 = arith.muli %scan3A_219, %mul3A_322 : i32
        %add3A_324 = arith.constant 2 : i32
        %add3A_325 = arith.addi %mul3A_323, %add3A_324 : i32
        %get3A_326 = arith.constant 0 : i32
        %get3A_327 = arith.index_cast %get3A_326 : i32 to index
        %get3A_328 = arith.index_cast %add3A_325 : i32 to index
        %get3A_329 = arith.constant 16 : index
        %get3A_330 = tpu.vector_load %arg7[%get3A_327, %get3A_328, %get3A_329] {strides = array<i32>} : memref<2x100x64xf32, #tpu.memory_space<vmem>>, vector<1x1x16xf32>,
        %get3A_331 = vector.shape_cast %get3A_330 : vector<1x1x16xf32> to vector<16xf32>
        %add3A_332 = arith.addf %add3A_288, %get3A_331 : vector<16xf32>
        %mul3A_333 = arith.constant 4 : i32
        %mul3A_334 = arith.muli %scan3A_219, %mul3A_333 : i32
        %add3A_335 = arith.constant 2 : i32
        %add3A_336 = arith.addi %mul3A_334, %add3A_335 : i32
        %get3A_337 = arith.constant 0 : i32
        %get3A_338 = arith.index_cast %get3A_337 : i32 to index
        %get3A_339 = arith.index_cast %add3A_336 : i32 to index
        %get3A_340 = arith.constant 32 : index
        %get3A_341 = tpu.vector_load %arg7[%get3A_338, %get3A_339, %get3A_340] {strides = array<i32>} : memref<2x100x64xf32, #tpu.memory_space<vmem>>, vector<1x1x16xf32>,
        %get3A_342 = vector.shape_cast %get3A_341 : vector<1x1x16xf32> to vector<16xf32>
        %add3A_343 = arith.addf %add3A_299, %get3A_342 : vector<16xf32>
        %mul3A_344 = arith.constant 4 : i32
        %mul3A_345 = arith.muli %scan3A_219, %mul3A_344 : i32
        %add3A_346 = arith.constant 2 : i32
        %add3A_347 = arith.addi %mul3A_345, %add3A_346 : i32
        %get3A_348 = arith.constant 0 : i32
        %get3A_349 = arith.index_cast %get3A_348 : i32 to index
        %get3A_350 = arith.index_cast %add3A_347 : i32 to index
        %get3A_351 = arith.constant 48 : index
        %get3A_352 = tpu.vector_load %arg7[%get3A_349, %get3A_350, %get3A_351] {strides = array<i32>} : memref<2x100x64xf32, #tpu.memory_space<vmem>>, vector<1x1x16xf32>,
        %get3A_353 = vector.shape_cast %get3A_352 : vector<1x1x16xf32> to vector<16xf32>
        %add3A_354 = arith.addf %add3A_310, %get3A_353 : vector<16xf32>
        %mul3A_355 = arith.constant 4 : i32
        %mul3A_356 = arith.muli %scan3A_219, %mul3A_355 : i32
        %add3A_357 = arith.constant 3 : i32
        %add3A_358 = arith.addi %mul3A_356, %add3A_357 : i32
        %get3A_359 = arith.constant 0 : i32
        %get3A_360 = arith.index_cast %get3A_359 : i32 to index
        %get3A_361 = arith.index_cast %add3A_358 : i32 to index
        %get3A_362 = arith.constant 0 : index
        %get3A_363 = tpu.vector_load %arg7[%get3A_360, %get3A_361, %get3A_362] {strides = array<i32>} : memref<2x100x64xf32, #tpu.memory_space<vmem>>, vector<1x1x16xf32>,
        %get3A_364 = vector.shape_cast %get3A_363 : vector<1x1x16xf32> to vector<16xf32>
        %add3A_365 = arith.addf %add3A_321, %get3A_364 : vector<16xf32>
        %mul3A_366 = arith.constant 4 : i32
        %mul3A_367 = arith.muli %scan3A_219, %mul3A_366 : i32
        %add3A_368 = arith.constant 3 : i32
        %add3A_369 = arith.addi %mul3A_367, %add3A_368 : i32
        %get3A_370 = arith.constant 0 : i32
        %get3A_371 = arith.index_cast %get3A_370 : i32 to index
        %get3A_372 = arith.index_cast %add3A_369 : i32 to index
        %get3A_373 = arith.constant 16 : index
        %get3A_374 = tpu.vector_load %arg7[%get3A_371, %get3A_372, %get3A_373] {strides = array<i32>} : memref<2x100x64xf32, #tpu.memory_space<vmem>>, vector<1x1x16xf32>,
        %get3A_375 = vector.shape_cast %get3A_374 : vector<1x1x16xf32> to vector<16xf32>
        %add3A_376 = arith.addf %add3A_332, %get3A_375 : vector<16xf32>
        %mul3A_377 = arith.constant 4 : i32
        %mul3A_378 = arith.muli %scan3A_219, %mul3A_377 : i32
        %add3A_379 = arith.constant 3 : i32
        %add3A_380 = arith.addi %mul3A_378, %add3A_379 : i32
        %get3A_381 = arith.constant 0 : i32
        %get3A_382 = arith.index_cast %get3A_381 : i32 to index
        %get3A_383 = arith.index_cast %add3A_380 : i32 to index
        %get3A_384 = arith.constant 32 : index
        %get3A_385 = tpu.vector_load %arg7[%get3A_382, %get3A_383, %get3A_384] {strides = array<i32>} : memref<2x100x64xf32, #tpu.memory_space<vmem>>, vector<1x1x16xf32>,
        %get3A_386 = vector.shape_cast %get3A_385 : vector<1x1x16xf32> to vector<16xf32>
        %add3A_387 = arith.addf %add3A_343, %get3A_386 : vector<16xf32>
        %mul3A_388 = arith.constant 4 : i32
        %mul3A_389 = arith.muli %scan3A_219, %mul3A_388 : i32
        %add3A_390 = arith.constant 3 : i32
        %add3A_391 = arith.addi %mul3A_389, %add3A_390 : i32
        %get3A_392 = arith.constant 0 : i32
        %get3A_393 = arith.index_cast %get3A_392 : i32 to index
        %get3A_394 = arith.index_cast %add3A_391 : i32 to index
        %get3A_395 = arith.constant 48 : index
        %get3A_396 = tpu.vector_load %arg7[%get3A_393, %get3A_394, %get3A_395] {strides = array<i32>} : memref<2x100x64xf32, #tpu.memory_space<vmem>>, vector<1x1x16xf32>,
        %get3A_397 = vector.shape_cast %get3A_396 : vector<1x1x16xf32> to vector<16xf32>
        %add3A_398 = arith.addf %add3A_354, %get3A_397 : vector<16xf32>
        scf.yield %add3A_365, %add3A_376, %add3A_387, %add3A_398 : vector<16xf32>, vector<16xf32>, vector<16xf32>, vector<16xf32>
      }
      %scan3A_184 = arith.constant 25 : i32
      %scan3A_185 = arith.constant 0 : i32
      %scan3A_186 = arith.constant 25 : i32
      %scan3A_187 = arith.addi %scan3A_185, %scan3A_186 : i32
      %scan3A_188 = arith.constant 1 : i32
      %scan3A_189:4 = scf.for %scan3A_219 = %scan3A_185 to %scan3A_187 step %scan3A_188 iter_args(%scan3A_220 = %scan3A_183#0, %scan3A_221 = %scan3A_183#1, %scan3A_222 = %scan3A_183#2, %scan3A_223 = %scan3A_183#3) -> (vector<16xf32>, vector<16xf32>, vector<16xf32>, vector<16xf32>)  : i32 {
        %mul3A_224 = arith.constant 4 : i32
        %mul3A_225 = arith.muli %scan3A_219, %mul3A_224 : i32
        %add3A_226 = arith.constant 0 : i32
        %add3A_227 = arith.addi %mul3A_225, %add3A_226 : i32
        %get3A = arith.constant 1 : i32
        %get3A_228 = arith.index_cast %get3A : i32 to index
        %get3A_229 = arith.index_cast %add3A_227 : i32 to index
        %get3A_230 = arith.constant 0 : index
        %get3A_231 = tpu.vector_load %arg7[%get3A_228, %get3A_229, %get3A_230] {strides = array<i32>} : memref<2x100x64xf32, #tpu.memory_space<vmem>>, vector<1x1x16xf32>,
        %get3A_232 = vector.shape_cast %get3A_231 : vector<1x1x16xf32> to vector<16xf32>
        %add3A_233 = arith.addf %scan3A_220, %get3A_232 : vector<16xf32>
        %mul3A_234 = arith.constant 4 : i32
        %mul3A_235 = arith.muli %scan3A_219, %mul3A_234 : i32
        %add3A_236 = arith.constant 0 : i32
        %add3A_237 = arith.addi %mul3A_235, %add3A_236 : i32
        %get3A_238 = arith.constant 1 : i32
        %get3A_239 = arith.index_cast %get3A_238 : i32 to index
        %get3A_240 = arith.index_cast %add3A_237 : i32 to index
        %get3A_241 = arith.constant 16 : index
        %get3A_242 = tpu.vector_load %arg7[%get3A_239, %get3A_240, %get3A_241] {strides = array<i32>} : memref<2x100x64xf32, #tpu.memory_space<vmem>>, vector<1x1x16xf32>,
        %get3A_243 = vector.shape_cast %get3A_242 : vector<1x1x16xf32> to vector<16xf32>
        %add3A_244 = arith.addf %scan3A_221, %get3A_243 : vector<16xf32>
        %mul3A_245 = arith.constant 4 : i32
        %mul3A_246 = arith.muli %scan3A_219, %mul3A_245 : i32
        %add3A_247 = arith.constant 0 : i32
        %add3A_248 = arith.addi %mul3A_246, %add3A_247 : i32
        %get3A_249 = arith.constant 1 : i32
        %get3A_250 = arith.index_cast %get3A_249 : i32 to index
        %get3A_251 = arith.index_cast %add3A_248 : i32 to index
        %get3A_252 = arith.constant 32 : index
        %get3A_253 = tpu.vector_load %arg7[%get3A_250, %get3A_251, %get3A_252] {strides = array<i32>} : memref<2x100x64xf32, #tpu.memory_space<vmem>>, vector<1x1x16xf32>,
        %get3A_254 = vector.shape_cast %get3A_253 : vector<1x1x16xf32> to vector<16xf32>
        %add3A_255 = arith.addf %scan3A_222, %get3A_254 : vector<16xf32>
        %mul3A_256 = arith.constant 4 : i32
        %mul3A_257 = arith.muli %scan3A_219, %mul3A_256 : i32
        %add3A_258 = arith.constant 0 : i32
        %add3A_259 = arith.addi %mul3A_257, %add3A_258 : i32
        %get3A_260 = arith.constant 1 : i32
        %get3A_261 = arith.index_cast %get3A_260 : i32 to index
        %get3A_262 = arith.index_cast %add3A_259 : i32 to index
        %get3A_263 = arith.constant 48 : index
        %get3A_264 = tpu.vector_load %arg7[%get3A_261, %get3A_262, %get3A_263] {strides = array<i32>} : memref<2x100x64xf32, #tpu.memory_space<vmem>>, vector<1x1x16xf32>,
        %get3A_265 = vector.shape_cast %get3A_264 : vector<1x1x16xf32> to vector<16xf32>
        %add3A_266 = arith.addf %scan3A_223, %get3A_265 : vector<16xf32>
        %mul3A_267 = arith.constant 4 : i32
        %mul3A_268 = arith.muli %scan3A_219, %mul3A_267 : i32
        %add3A_269 = arith.constant 1 : i32
        %add3A_270 = arith.addi %mul3A_268, %add3A_269 : i32
        %get3A_271 = arith.constant 1 : i32
        %get3A_272 = arith.index_cast %get3A_271 : i32 to index
        %get3A_273 = arith.index_cast %add3A_270 : i32 to index
        %get3A_274 = arith.constant 0 : index
        %get3A_275 = tpu.vector_load %arg7[%get3A_272, %get3A_273, %get3A_274] {strides = array<i32>} : memref<2x100x64xf32, #tpu.memory_space<vmem>>, vector<1x1x16xf32>,
        %get3A_276 = vector.shape_cast %get3A_275 : vector<1x1x16xf32> to vector<16xf32>
        %add3A_277 = arith.addf %add3A_233, %get3A_276 : vector<16xf32>
        %mul3A_278 = arith.constant 4 : i32
        %mul3A_279 = arith.muli %scan3A_219, %mul3A_278 : i32
        %add3A_280 = arith.constant 1 : i32
        %add3A_281 = arith.addi %mul3A_279, %add3A_280 : i32
        %get3A_282 = arith.constant 1 : i32
        %get3A_283 = arith.index_cast %get3A_282 : i32 to index
        %get3A_284 = arith.index_cast %add3A_281 : i32 to index
        %get3A_285 = arith.constant 16 : index
        %get3A_286 = tpu.vector_load %arg7[%get3A_283, %get3A_284, %get3A_285] {strides = array<i32>} : memref<2x100x64xf32, #tpu.memory_space<vmem>>, vector<1x1x16xf32>,
        %get3A_287 = vector.shape_cast %get3A_286 : vector<1x1x16xf32> to vector<16xf32>
        %add3A_288 = arith.addf %add3A_244, %get3A_287 : vector<16xf32>
        %mul3A_289 = arith.constant 4 : i32
        %mul3A_290 = arith.muli %scan3A_219, %mul3A_289 : i32
        %add3A_291 = arith.constant 1 : i32
        %add3A_292 = arith.addi %mul3A_290, %add3A_291 : i32
        %get3A_293 = arith.constant 1 : i32
        %get3A_294 = arith.index_cast %get3A_293 : i32 to index
        %get3A_295 = arith.index_cast %add3A_292 : i32 to index
        %get3A_296 = arith.constant 32 : index
        %get3A_297 = tpu.vector_load %arg7[%get3A_294, %get3A_295, %get3A_296] {strides = array<i32>} : memref<2x100x64xf32, #tpu.memory_space<vmem>>, vector<1x1x16xf32>,
        %get3A_298 = vector.shape_cast %get3A_297 : vector<1x1x16xf32> to vector<16xf32>
        %add3A_299 = arith.addf %add3A_255, %get3A_298 : vector<16xf32>
        %mul3A_300 = arith.constant 4 : i32
        %mul3A_301 = arith.muli %scan3A_219, %mul3A_300 : i32
        %add3A_302 = arith.constant 1 : i32
        %add3A_303 = arith.addi %mul3A_301, %add3A_302 : i32
        %get3A_304 = arith.constant 1 : i32
        %get3A_305 = arith.index_cast %get3A_304 : i32 to index
        %get3A_306 = arith.index_cast %add3A_303 : i32 to index
        %get3A_307 = arith.constant 48 : index
        %get3A_308 = tpu.vector_load %arg7[%get3A_305, %get3A_306, %get3A_307] {strides = array<i32>} : memref<2x100x64xf32, #tpu.memory_space<vmem>>, vector<1x1x16xf32>,
        %get3A_309 = vector.shape_cast %get3A_308 : vector<1x1x16xf32> to vector<16xf32>
        %add3A_310 = arith.addf %add3A_266, %get3A_309 : vector<16xf32>
        %mul3A_311 = arith.constant 4 : i32
        %mul3A_312 = arith.muli %scan3A_219, %mul3A_311 : i32
        %add3A_313 = arith.constant 2 : i32
        %add3A_314 = arith.addi %mul3A_312, %add3A_313 : i32
        %get3A_315 = arith.constant 1 : i32
        %get3A_316 = arith.index_cast %get3A_315 : i32 to index
        %get3A_317 = arith.index_cast %add3A_314 : i32 to index
        %get3A_318 = arith.constant 0 : index
        %get3A_319 = tpu.vector_load %arg7[%get3A_316, %get3A_317, %get3A_318] {strides = array<i32>} : memref<2x100x64xf32, #tpu.memory_space<vmem>>, vector<1x1x16xf32>,
        %get3A_320 = vector.shape_cast %get3A_319 : vector<1x1x16xf32> to vector<16xf32>
        %add3A_321 = arith.addf %add3A_277, %get3A_320 : vector<16xf32>
        %mul3A_322 = arith.constant 4 : i32
        %mul3A_323 = arith.muli %scan3A_219, %mul3A_322 : i32
        %add3A_324 = arith.constant 2 : i32
        %add3A_325 = arith.addi %mul3A_323, %add3A_324 : i32
        %get3A_326 = arith.constant 1 : i32
        %get3A_327 = arith.index_cast %get3A_326 : i32 to index
        %get3A_328 = arith.index_cast %add3A_325 : i32 to index
        %get3A_329 = arith.constant 16 : index
        %get3A_330 = tpu.vector_load %arg7[%get3A_327, %get3A_328, %get3A_329] {strides = array<i32>} : memref<2x100x64xf32, #tpu.memory_space<vmem>>, vector<1x1x16xf32>,
        %get3A_331 = vector.shape_cast %get3A_330 : vector<1x1x16xf32> to vector<16xf32>
        %add3A_332 = arith.addf %add3A_288, %get3A_331 : vector<16xf32>
        %mul3A_333 = arith.constant 4 : i32
        %mul3A_334 = arith.muli %scan3A_219, %mul3A_333 : i32
        %add3A_335 = arith.constant 2 : i32
        %add3A_336 = arith.addi %mul3A_334, %add3A_335 : i32
        %get3A_337 = arith.constant 1 : i32
        %get3A_338 = arith.index_cast %get3A_337 : i32 to index
        %get3A_339 = arith.index_cast %add3A_336 : i32 to index
        %get3A_340 = arith.constant 32 : index
        %get3A_341 = tpu.vector_load %arg7[%get3A_338, %get3A_339, %get3A_340] {strides = array<i32>} : memref<2x100x64xf32, #tpu.memory_space<vmem>>, vector<1x1x16xf32>,
        %get3A_342 = vector.shape_cast %get3A_341 : vector<1x1x16xf32> to vector<16xf32>
        %add3A_343 = arith.addf %add3A_299, %get3A_342 : vector<16xf32>
        %mul3A_344 = arith.constant 4 : i32
        %mul3A_345 = arith.muli %scan3A_219, %mul3A_344 : i32
        %add3A_346 = arith.constant 2 : i32
        %add3A_347 = arith.addi %mul3A_345, %add3A_346 : i32
        %get3A_348 = arith.constant 1 : i32
        %get3A_349 = arith.index_cast %get3A_348 : i32 to index
        %get3A_350 = arith.index_cast %add3A_347 : i32 to index
        %get3A_351 = arith.constant 48 : index
        %get3A_352 = tpu.vector_load %arg7[%get3A_349, %get3A_350, %get3A_351] {strides = array<i32>} : memref<2x100x64xf32, #tpu.memory_space<vmem>>, vector<1x1x16xf32>,
        %get3A_353 = vector.shape_cast %get3A_352 : vector<1x1x16xf32> to vector<16xf32>
        %add3A_354 = arith.addf %add3A_310, %get3A_353 : vector<16xf32>
        %mul3A_355 = arith.constant 4 : i32
        %mul3A_356 = arith.muli %scan3A_219, %mul3A_355 : i32
        %add3A_357 = arith.constant 3 : i32
        %add3A_358 = arith.addi %mul3A_356, %add3A_357 : i32
        %get3A_359 = arith.constant 1 : i32
        %get3A_360 = arith.index_cast %get3A_359 : i32 to index
        %get3A_361 = arith.index_cast %add3A_358 : i32 to index
        %get3A_362 = arith.constant 0 : index
        %get3A_363 = tpu.vector_load %arg7[%get3A_360, %get3A_361, %get3A_362] {strides = array<i32>} : memref<2x100x64xf32, #tpu.memory_space<vmem>>, vector<1x1x16xf32>,
        %get3A_364 = vector.shape_cast %get3A_363 : vector<1x1x16xf32> to vector<16xf32>
        %add3A_365 = arith.addf %add3A_321, %get3A_364 : vector<16xf32>
        %mul3A_366 = arith.constant 4 : i32
        %mul3A_367 = arith.muli %scan3A_219, %mul3A_366 : i32
        %add3A_368 = arith.constant 3 : i32
        %add3A_369 = arith.addi %mul3A_367, %add3A_368 : i32
        %get3A_370 = arith.constant 1 : i32
        %get3A_371 = arith.index_cast %get3A_370 : i32 to index
        %get3A_372 = arith.index_cast %add3A_369 : i32 to index
        %get3A_373 = arith.constant 16 : index
        %get3A_374 = tpu.vector_load %arg7[%get3A_371, %get3A_372, %get3A_373] {strides = array<i32>} : memref<2x100x64xf32, #tpu.memory_space<vmem>>, vector<1x1x16xf32>,
        %get3A_375 = vector.shape_cast %get3A_374 : vector<1x1x16xf32> to vector<16xf32>
        %add3A_376 = arith.addf %add3A_332, %get3A_375 : vector<16xf32>
        %mul3A_377 = arith.constant 4 : i32
        %mul3A_378 = arith.muli %scan3A_219, %mul3A_377 : i32
        %add3A_379 = arith.constant 3 : i32
        %add3A_380 = arith.addi %mul3A_378, %add3A_379 : i32
        %get3A_381 = arith.constant 1 : i32
        %get3A_382 = arith.index_cast %get3A_381 : i32 to index
        %get3A_383 = arith.index_cast %add3A_380 : i32 to index
        %get3A_384 = arith.constant 32 : index
        %get3A_385 = tpu.vector_load %arg7[%get3A_382, %get3A_383, %get3A_384] {strides = array<i32>} : memref<2x100x64xf32, #tpu.memory_space<vmem>>, vector<1x1x16xf32>,
        %get3A_386 = vector.shape_cast %get3A_385 : vector<1x1x16xf32> to vector<16xf32>
        %add3A_387 = arith.addf %add3A_343, %get3A_386 : vector<16xf32>
        %mul3A_388 = arith.constant 4 : i32
        %mul3A_389 = arith.muli %scan3A_219, %mul3A_388 : i32
        %add3A_390 = arith.constant 3 : i32
        %add3A_391 = arith.addi %mul3A_389, %add3A_390 : i32
        %get3A_392 = arith.constant 1 : i32
        %get3A_393 = arith.index_cast %get3A_392 : i32 to index
        %get3A_394 = arith.index_cast %add3A_391 : i32 to index
        %get3A_395 = arith.constant 48 : index
        %get3A_396 = tpu.vector_load %arg7[%get3A_393, %get3A_394, %get3A_395] {strides = array<i32>} : memref<2x100x64xf32, #tpu.memory_space<vmem>>, vector<1x1x16xf32>,
        %get3A_397 = vector.shape_cast %get3A_396 : vector<1x1x16xf32> to vector<16xf32>
        %add3A_398 = arith.addf %add3A_354, %get3A_397 : vector<16xf32>
        scf.yield %add3A_365, %add3A_376, %add3A_387, %add3A_398 : vector<16xf32>, vector<16xf32>, vector<16xf32>, vector<16xf32>
      }
      %scan3A_190 = arith.constant 25 : i32
      %swap3A_191 = arith.index_cast %add3A_140 : i32 to index
      %swap3A_192 = arith.constant 0 : index
      %swap3A_193 = tpu.vector_load %arg8[%swap3A_191, %swap3A_192] {strides = array<i32>} : memref<128x64xf32, #tpu.memory_space<vmem>>, vector<1x16xf32>,
      %swap3A_194 = vector.shape_cast %swap3A_193 : vector<1x16xf32> to vector<16xf32>
      %swap3A_195 = vector.shape_cast %scan3A_189#0 : vector<16xf32> to vector<1x16xf32>
      tpu.vector_store %arg8[%swap3A_191, %swap3A_192], %swap3A_195 {strides = array<i32>} : memref<128x64xf32, #tpu.memory_space<vmem>>, vector<1x16xf32>,
      %swap3A_196 = arith.index_cast %add3A_140 : i32 to index
      %swap3A_197 = arith.constant 16 : index
      %swap3A_198 = tpu.vector_load %arg8[%swap3A_196, %swap3A_197] {strides = array<i32>} : memref<128x64xf32, #tpu.memory_space<vmem>>, vector<1x16xf32>,
      %swap3A_199 = vector.shape_cast %swap3A_198 : vector<1x16xf32> to vector<16xf32>
      %swap3A_200 = vector.shape_cast %scan3A_189#1 : vector<16xf32> to vector<1x16xf32>
      tpu.vector_store %arg8[%swap3A_196, %swap3A_197], %swap3A_200 {strides = array<i32>} : memref<128x64xf32, #tpu.memory_space<vmem>>, vector<1x16xf32>,
      %swap3A_201 = arith.index_cast %add3A_140 : i32 to index
      %swap3A_202 = arith.constant 32 : index
      %swap3A_203 = tpu.vector_load %arg8[%swap3A_201, %swap3A_202] {strides = array<i32>} : memref<128x64xf32, #tpu.memory_space<vmem>>, vector<1x16xf32>,
      %swap3A_204 = vector.shape_cast %swap3A_203 : vector<1x16xf32> to vector<16xf32>
      %swap3A_205 = vector.shape_cast %scan3A_189#2 : vector<16xf32> to vector<1x16xf32>
      tpu.vector_store %arg8[%swap3A_201, %swap3A_202], %swap3A_205 {strides = array<i32>} : memref<128x64xf32, #tpu.memory_space<vmem>>, vector<1x16xf32>,
      %swap3A_206 = arith.index_cast %add3A_140 : i32 to index
      %swap3A_207 = arith.constant 48 : index
      %swap3A_208 = tpu.vector_load %arg8[%swap3A_206, %swap3A_207] {strides = array<i32>} : memref<128x64xf32, #tpu.memory_space<vmem>>, vector<1x16xf32>,
      %swap3A_209 = vector.shape_cast %swap3A_208 : vector<1x16xf32> to vector<16xf32>
      %swap3A_210 = vector.shape_cast %scan3A_189#3 : vector<16xf32> to vector<1x16xf32>
      tpu.vector_store %arg8[%swap3A_206, %swap3A_207], %swap3A_210 {strides = array<i32>} : memref<128x64xf32, #tpu.memory_space<vmem>>, vector<1x16xf32>,
      %add3A_211 = arith.constant 2 : i32
      %add3A_212 = arith.addi %add3A_140, %add3A_211 : i32
      %lt3A_213 = arith.constant 128 : i32
      %lt3A_214 = arith.cmpi slt, %add3A_212, %lt3A_213 : i32
      %convert_element_type3A_215 = arith.extui %lt3A_214 : i1 to i32
      %cond3A_216 = arith.constant 0 : i32
      %cond3A_217 = arith.cmpi ne, %convert_element_type3A_215, %cond3A_216 : i32
      scf.if %cond3A_217 {
        %add3A_219 = arith.constant 2 : i32
        %add3A_220 = arith.addi %add3A_140, %add3A_219 : i32
        %dma_start3A_221 = arith.constant 0 : i32
        %dma_start3A_222 = arith.constant 0 : i32
        %dma_start3A_223 = arith.constant 0 : i32
        %dma_start3A_224 = arith.constant 0 : i32
        %dma_start3A_225 = tpu.memref_slice %arg7[%dma_start3A_222, %dma_start3A_223, %dma_start3A_224] : memref<2x100x64xf32, #tpu.memory_space<vmem>> -> memref<1x100x64xf32, #tpu.memory_space<vmem>>
        %dma_start3A_226 = tpu.memref_squeeze %dma_start3A_225 : memref<1x100x64xf32, #tpu.memory_space<vmem>> -> memref<100x64xf32, #tpu.memory_space<vmem>>
        %dma_start3A_227 = arith.constant 0 : i32
        %dma_start3A_228 = tpu.memref_slice %arg5[%add3A_220, %dma_start3A_221, %dma_start3A_227] : memref<128x2x100xi32, #tpu.memory_space<vmem>> -> memref<1x1x100xi32, #tpu.memory_space<vmem>>
        %dma_start3A_229 = tpu.memref_squeeze %dma_start3A_228 : memref<1x1x100xi32, #tpu.memory_space<vmem>> -> memref<100xi32, #tpu.memory_space<vmem>>
        %dma_start3A_230 = arith.constant 0 : i32
        %dma_start3A_231 = arith.constant 0 : i32
        %dma_start3A_232 = tpu.memref_slice %arg3[%dma_start3A_230, %dma_start3A_231] : memref<1000000x64xf32, #tpu.memory_space<hbm>> -> memref<1000000x64xf32, #tpu.memory_space<hbm>>
        tpu.enqueue_indirect_dma source(%dma_start3A_232 : memref<1000000x64xf32, #tpu.memory_space<hbm>>) target(%dma_start3A_226 : memref<100x64xf32, #tpu.memory_space<vmem>>) offsets(%dma_start3A_229 : memref<100xi32, #tpu.memory_space<vmem>>) semaphore(%arg10 : memref<!tpu.dma_semaphore, #tpu.memory_space<semaphore_mem>>)
        %dma_start3A_233 = arith.constant 1 : i32
        %dma_start3A_234 = arith.constant 1 : i32
        %dma_start3A_235 = arith.constant 0 : i32
        %dma_start3A_236 = arith.constant 0 : i32
        %dma_start3A_237 = tpu.memref_slice %arg7[%dma_start3A_234, %dma_start3A_235, %dma_start3A_236] : memref<2x100x64xf32, #tpu.memory_space<vmem>> -> memref<1x100x64xf32, #tpu.memory_space<vmem>>
        %dma_start3A_238 = tpu.memref_squeeze %dma_start3A_237 : memref<1x100x64xf32, #tpu.memory_space<vmem>> -> memref<100x64xf32, #tpu.memory_space<vmem>>
        %dma_start3A_239 = arith.constant 0 : i32
        %dma_start3A_240 = tpu.memref_slice %arg5[%add3A_220, %dma_start3A_233, %dma_start3A_239] : memref<128x2x100xi32, #tpu.memory_space<vmem>> -> memref<1x1x100xi32, #tpu.memory_space<vmem>>
        %dma_start3A_241 = tpu.memref_squeeze %dma_start3A_240 : memref<1x1x100xi32, #tpu.memory_space<vmem>> -> memref<100xi32, #tpu.memory_space<vmem>>
        %dma_start3A_242 = arith.constant 0 : i32
        %dma_start3A_243 = arith.constant 0 : i32
        %dma_start3A_244 = tpu.memref_slice %arg3[%dma_start3A_242, %dma_start3A_243] : memref<1000000x64xf32, #tpu.memory_space<hbm>> -> memref<1000000x64xf32, #tpu.memory_space<hbm>>
        tpu.enqueue_indirect_dma source(%dma_start3A_244 : memref<1000000x64xf32, #tpu.memory_space<hbm>>) target(%dma_start3A_238 : memref<100x64xf32, #tpu.memory_space<vmem>>) offsets(%dma_start3A_241 : memref<100xi32, #tpu.memory_space<vmem>>) semaphore(%arg10 : memref<!tpu.dma_semaphore, #tpu.memory_space<semaphore_mem>>)
      } else {
      }
      %scan3A_218 = arith.constant 0 : i32
      scf.yield %scan3A_218 : i32
    }
    %scan3A_59 = arith.constant 64 : i32
    "tpu.region"() ({
      %run_scoped3A = tpu.sem_alloc : memref<!tpu.dma_semaphore, #tpu.memory_space<semaphore_mem>>
      %dma_start3A_60 = arith.constant 0 : i32
      %dma_start3A_61 = tpu.memref_slice %arg4[%mul3A_2, %dma_start3A_60] : memref<4096x64xf32, #tpu.memory_space<hbm>> -> memref<128x64xf32, #tpu.memory_space<hbm>>
      %dma_start3A_62 = arith.constant 0 : i32
      %dma_start3A_63 = tpu.memref_slice %arg4[%mul3A_2, %dma_start3A_62] : memref<4096x64xf32, #tpu.memory_space<hbm>> -> memref<128x64xf32, #tpu.memory_space<hbm>>
      tpu.enqueue_dma source(%arg8 : memref<128x64xf32, #tpu.memory_space<vmem>>) target(%dma_start3A_63 : memref<128x64xf32, #tpu.memory_space<hbm>>) target_semaphore(%run_scoped3A : memref<!tpu.dma_semaphore, #tpu.memory_space<semaphore_mem>>)
      %dma_wait3A = arith.constant 0 : i32
      %dma_wait3A_64 = tpu.memref_slice %arg4[%mul3A_2, %dma_wait3A] : memref<4096x64xf32, #tpu.memory_space<hbm>> -> memref<128x64xf32, #tpu.memory_space<hbm>>
      %dma_wait3A_65 = arith.constant 0 : i32
      %dma_wait3A_66 = tpu.memref_slice %arg4[%mul3A_2, %dma_wait3A_65] : memref<4096x64xf32, #tpu.memory_space<hbm>> -> memref<128x64xf32, #tpu.memory_space<hbm>>
      tpu.wait_dma2 semaphore(%run_scoped3A : memref<!tpu.dma_semaphore, #tpu.memory_space<semaphore_mem>>) src(%arg8 : memref<128x64xf32, #tpu.memory_space<vmem>>) dst(%dma_wait3A_66 : memref<128x64xf32, #tpu.memory_space<hbm>>)
      tpu.yield
    }) : () -> ()
    return
  }
}

module attributes {stable_mosaic.version = 14 : i64} {
  func.func @_tc_body(%arg0: memref<4096x64xf32, #tpu.memory_space<vmem>>, %arg1: memref<4096x200xi32, #tpu.memory_space<vmem>>, %arg2: memref<10x64xf32, #tpu.memory_space<vmem>>, %arg3: memref<1x10xf32, #tpu.memory_space<vmem>>, %arg4: memref<4096x10xf32, #tpu.memory_space<vmem>>) attributes {dimension_semantics = [], scalar_prefetch = 0 : i64, scratch_operands = 0 : i64, tpu.core_type = #tpu.core_type<tc>} {
    %get3A = arith.constant 0 : index
    %get3A_0 = arith.constant 0 : index
    %get3A_1 = vector.load %arg1[%get3A, %get3A_0] : memref<4096x200xi32, #tpu.memory_space<vmem>>, vector<4096x200xi32>
    %ne3A = arith.constant 0 : i32
    %ne3A_2 = vector.broadcast %ne3A : i32 to vector<4096x200xi32>
    %ne3A_3 = arith.cmpi ne, %get3A_1, %ne3A_2 : vector<4096x200xi32>
    %convert_element_type3A = arith.extui %ne3A_3 : vector<4096x200xi1> to vector<4096x200xi32>
    %convert_element_type3A_4 = arith.sitofp %convert_element_type3A : vector<4096x200xi32> to vector<4096x200xf32>
    %reduce_sum3A = arith.constant dense<0.000000e+00> : vector<4096xf32>
    %reduce_sum3A_5 = vector.multi_reduction <add>, %convert_element_type3A_4, %reduce_sum3A [1] : vector<4096x200xf32> to vector<4096xf32>
    %broadcast_in_dim3A = vector.shape_cast %reduce_sum3A_5 : vector<4096xf32> to vector<4096x1xf32>
    %max3A = arith.constant 1.000000e+00 : f32
    %max3A_6 = vector.broadcast %max3A : f32 to vector<4096x1xf32>
    %max3A_7 = arith.maximumf %broadcast_in_dim3A, %max3A_6 : vector<4096x1xf32>
    %get3A_8 = arith.constant 0 : index
    %get3A_9 = arith.constant 0 : index
    %get3A_10 = vector.load %arg0[%get3A_8, %get3A_9] : memref<4096x64xf32, #tpu.memory_space<vmem>>, vector<4096x64xf32>
    %div3A = vector.broadcast %max3A_7 : vector<4096x1xf32> to vector<4096x64xf32>
    %div3A_11 = arith.divf %get3A_10, %div3A : vector<4096x64xf32>
    %get3A_12 = arith.constant 0 : index
    %get3A_13 = arith.constant 0 : index
    %get3A_14 = vector.load %arg2[%get3A_12, %get3A_13] : memref<10x64xf32, #tpu.memory_space<vmem>>, vector<10x64xf32>
    %dot_general3A = arith.constant dense<0.000000e+00> : vector<4096x10xf32>
    %dot_general3A_15 = tpu.matmul %div3A_11, %get3A_14, %dot_general3A {dimension_numbers = #tpu.dot_dimension_numbers<[1], [1], [0], [0], [0, 0, 1, 0], [], []>, transpose_lhs_hint = false} : vector<4096x64xf32>, vector<10x64xf32>, vector<4096x10xf32> -> vector<4096x10xf32>
    %get3A_16 = arith.constant 0 : index
    %get3A_17 = arith.constant 0 : index
    %get3A_18 = vector.load %arg3[%get3A_16, %get3A_17] : memref<1x10xf32, #tpu.memory_space<vmem>>, vector<1x10xf32>
    %add3A = vector.broadcast %get3A_18 : vector<1x10xf32> to vector<4096x10xf32>
    %add3A_19 = arith.addf %dot_general3A_15, %add3A : vector<4096x10xf32>
    %swap3A = arith.constant 0 : index
    %swap3A_20 = arith.constant 0 : index
    %swap3A_21 = vector.load %arg4[%swap3A, %swap3A_20] : memref<4096x10xf32, #tpu.memory_space<vmem>>, vector<4096x10xf32>
    tpu.vector_store %arg4[%swap3A, %swap3A_20], %add3A_19 {strides = array<i32>} : memref<4096x10xf32, #tpu.memory_space<vmem>>, vector<4096x10xf32>,
    return
  }
}

</mosaic_0001>

<sc_bundles>
// kernel: kernel.4.cloned.1.call-start
scs
__scs_entry_jumppad:
0x0: {  	(pc) =	sbr.rel $0x88, $3  }
0x1: {  	(tag) =	ssettag $0x0;
	lr =	simm.s32 $0x1  }
0x2: {  	[smem:$0x3F9D] =	sst lr;
	_ =	strace $0xD0000000  }
0x3: {  	_ = 	snop  }
0x4: {  	_ = 	snop  }
0x5: {  	_ = 	snop  }
0x6: {  	_ = 	snop  }
0x7: {  	_ = 	snop  }
__scs_overlays_trampoline_lowered:
0x8: {  	[smem:$0x3FAC] =	sst s0  }
0x9: {  	[smem:$0x3FAD] =	sst s1  }
0xa: {  	[smem:$0x3FAE] =	sst s2  }
0xb: {  	[smem:$0x3FAF] =	sst s3  }
0xc: {  	[smem:$0x3FB0] =	sst s4  }
0xd: {  	[smem:$0x3FB1] =	sst s5  }
0xe: {  	[smem:$0x3FB2] =	sst s6  }
0xf: {  	[smem:$0x3FB3] =	sst s7  }
0x10: {  	[smem:$0x3FB4] =	sst s8  }
0x11: {  	[smem:$0x3FB5] =	sst s9;
	s0 =	simm.s32 @!p0 $0x0  }
0x12: {  	s1 =	sld [smem:$0x3F9B];
	s0 =	simm.s32 @p0 $0x1  }
0x13: {  	[smem:$0x3FB6] =	sst s0;
	s0 =	simm.s32 @!p1 $0x0  }
0x14: {  	s2 =	sld [smem:$0x3F9A];
	s0 =	simm.s32 @p1 $0x1  }
0x15: {  	[smem:$0x3FB7] =	sst s0;
	s0 =	simm.s32 @!p2 $0x0  }
0x16: {  	s3 =	sld [smem:$0x3FDB];
	s0 =	simm.s32 @p2 $0x1  }
0x17: {  	s4 =	simm.s32 $0x1BF5;
	[smem:$0x3FB9] =	sst s0  }
0x18: {  	s0 =	sld [smem:$0x3F9C];
	_ =	swait.ge [sflag:s4], $0x0  }
0x19: {  	s7 =	sld [smem:$0x3F9D]  }
0x1a: {  	s8 =	sadd.s32 $0xFFFFE003, lr  }
0x1b: {  	s9 =	sadd.s32 $0xFFFFFEF7, lr;
	s5 =	simm.s32 $0xFFFFFFFF;
	p2 =	slt.u32 s8, $0xFFFFF086  }
0x1c: {  	p1 =	slt.u32 s9, $0xF7A;
	s5 =	simm.s32 @!p2 $0x0  }
0x1d: {  	s5 =	simm.s32 @p1 $0x1;
	p0 =	seq.s32 s7, s2  }
0x1e: {  	s7 =	smul.u32 @!p0 $0xF7A, s2;
	p2 =	seq.s32 @!p0 s5, $0x0  }
0x1f: {  	s9 =	smul.u32 $0xF7A, s1;
	s8 =	simm.s32 @!p0 $0x1BF5;
	p2 =	por !p2, p0  }
0x20: {  	[sflag:s8] =	ssyncset.s32 @!p0 $0xFFFFF086;
	s6 =	sadd.s32 @!p0 s3, s7;
	s7 =	simm.s32 @!p0 $0x108  }
0x21: {  	s3 =	sadd.s32 s3, s9;
	s6 =	sadd.s32 @!p0 $0x88, s6;
	s7 =	simm.s32 @p2 $0x1082  }
0x22: {  	[simem:s7], [sflag:s8] =	dma.local @!p0 [hbm:s6], $0xF7A  }
0x23: {  	s9 =	sor.u32 $0xD0000000, s2;
	s6 =	simm.s32 $0x108;
	_ =	swait.ge @!p0 [sflag:s8], $0x0  }
0x24: {  	s3 =	sadd.s32 $0x88, s3;
	s6 =	simm.s32 @!p1 $0x1082;
	[sflag:s4] =	ssyncset.s32 $0xFFFFF086  }
0x25: {  	[simem:s6], [sflag:s4] =	dma.local [hbm:s3], $0xF7A  }
0x26: {  	[smem:$0x3F9D] =	sst s1;
	(tag) =	ssettag s2;
	_ =	strace s9  }
0x27: {  	s1 =	sld [smem:$0x3FAD]  }
0x28: {  	s2 =	sld [smem:$0x3FAE]  }
0x29: {  	s4 =	sld [smem:$0x3FB0]  }
0x2a: {  	p0 =	seq.s32 s5, $0x0;
	s5 =	sld [smem:$0x3FB1]  }
0x2b: {  	s6 =	sld [smem:$0x3FB2]  }
0x2c: {  	s7 =	sld [smem:$0x3FB3]  }
0x2d: {  	s3 =	simm.s32 $0x108;
	s8 =	sld [smem:$0x3FB4]  }
0x2e: {  	s3 =	simm.s32 @!p0 $0x1082;
	s9 =	sld [smem:$0x3FB5]  }
0x2f: {  	lr =	sadd.s32 s0, s3;
	s0 =	sld [smem:$0x3FAC]  }
0x30: {  	s3 =	sld [smem:$0x3FAF]  }
0x31: {  	[smem:$0x3FB8] =	sst s10  }
0x32: {  	s10 =	sld [smem:$0x3FB6];
	_ =	sdelay $0x3  }
0x33: {  	p0 =	seq.s32 s10, $0x1;
	s10 =	sld [smem:$0x3FB8];
	_ =	sdelay $0x3  }
0x34: {  	[smem:$0x3FB8] =	sst s10  }
0x35: {  	s10 =	sld [smem:$0x3FB7];
	_ =	sdelay $0x3  }
0x36: {  	p1 =	seq.s32 s10, $0x1;
	s10 =	sld [smem:$0x3FB8];
	_ =	sdelay $0x3  }
0x37: {  	[smem:$0x3FB8] =	sst s10  }
0x38: {  	s10 =	sld [smem:$0x3FB9]  }
0x39: {  	_ = 	snop;
	(pc) =	sbr.ind lr, $3  }
0x3a: {  	_ = 	snop  }
0x3b: {  	_ = 	snop  }
0x3c: {  	p2 =	seq.s32 s10, $0x1;
	s10 =	sld [smem:$0x3FB8]  }
0x3d: {  	_ =	shalt  }
0x3e: {  	_ =	shalt  }
0x3f: {  	_ =	shalt  }
0x40: {  	_ =	shalt  }
0x41: {  	_ =	shalt  }
0x42: {  	_ =	shalt  }
0x43: {  	_ =	shalt  }
0x44: {  	_ =	shalt  }
0x45: {  	_ =	shalt  }
0x46: {  	_ =	shalt  }
0x47: {  	_ =	shalt  }
0x48: {  	_ =	shalt  }
0x49: {  	_ =	shalt  }
0x4a: {  	_ =	shalt  }
0x4b: {  	_ =	shalt  }
0x4c: {  	_ =	shalt  }
0x4d: {  	_ =	shalt  }
0x4e: {  	_ =	shalt  }
0x4f: {  	_ =	shalt  }
0x50: {  	_ =	shalt  }
0x51: {  	_ =	shalt  }
0x52: {  	_ =	shalt  }
0x53: {  	_ =	shalt  }
0x54: {  	_ =	shalt  }
0x55: {  	_ =	shalt  }
0x56: {  	_ =	shalt  }
0x57: {  	_ =	shalt  }
0x58: {  	_ =	shalt  }
0x59: {  	_ =	shalt  }
0x5a: {  	_ =	shalt  }
0x5b: {  	_ =	shalt  }
0x5c: {  	_ =	shalt  }
0x5d: {  	_ =	shalt  }
0x5e: {  	_ =	shalt  }
0x5f: {  	_ =	shalt  }
0x60: {  	_ =	shalt  }
0x61: {  	_ =	shalt  }
0x62: {  	_ =	shalt  }
0x63: {  	_ =	shalt  }
0x64: {  	_ =	shalt  }
0x65: {  	_ =	shalt  }
0x66: {  	_ =	shalt  }
0x67: {  	_ =	shalt  }
0x68: {  	_ =	shalt  }
0x69: {  	_ =	shalt  }
0x6a: {  	_ =	shalt  }
0x6b: {  	_ =	shalt  }
0x6c: {  	_ =	shalt  }
0x6d: {  	_ =	shalt  }
0x6e: {  	_ =	shalt  }
0x6f: {  	_ =	shalt  }
0x70: {  	_ =	shalt  }
0x71: {  	_ =	shalt  }
0x72: {  	_ =	shalt  }
0x73: {  	_ =	shalt  }
0x74: {  	_ =	shalt  }
0x75: {  	_ =	shalt  }
0x76: {  	_ =	shalt  }
0x77: {  	_ =	shalt  }
0x78: {  	_ =	shalt  }
0x79: {  	_ =	shalt  }
0x7a: {  	_ =	shalt  }
0x7b: {  	_ =	shalt  }
0x7c: {  	_ =	shalt  }
0x7d: {  	_ =	shalt  }
0x7e: {  	_ =	shalt  }
0x7f: {  	_ =	shalt  }
0x80: {  	_ =	shalt  }
0x81: {  	_ =	shalt  }
0x82: {  	_ =	shalt  }
0x83: {  	_ =	shalt  }
0x84: {  	_ =	shalt  }
0x85: {  	_ =	shalt  }
0x86: {  	_ =	shalt  }
0x87: {  	_ =	shalt  }
.Lfunc_end0:
.L_simem_size_0:
called_computation_lowered:
.L_overlay_start_0:
0x88: {  	s2 =	sld [smem:$0x3FD9]  }
0x89: {  	s3 =	sld [smem:$0x3FFE];
	_ =	sdelay $0x1  }
0x8a: {  	s1 =	srdreg.scid  }
0x8b: {  	s0 =	sand.u32 $0x1, s1  }
0x8c: {  	s16 =	sshll.u32 s0, $0xA;
	s2 =	sadd.s32 s3, s2  }
0x8d: {  	s2 =	sadd.s32 s2, s16  }
0x8e: {  	[smem:$0x3FC4] =	sst s2  }
0x8f: {  	_ = 	snop  }
0x90: {  	(tm) =	ssettm $0x1  }
0x91: {  	s17 =	sld [smem:$0x3FFB];
	_ =	sdelay $0x3  }
0x92: {  	_ =	strace s17  }
0x93: {  	s2 =	sld [smem:$0x3FFC];
	_ =	sdelay $0x3  }
0x94: {  	_ =	strace s2  }
0x95: {  	s2 =	sld [smem:$0x3FFD];
	_ =	sdelay $0x3  }
0x96: {  	_ =	strace s2  }
0x97: {  	_ =	strace $0x8FFFFFFF  }
0x98: {  	s18 =	sld [smem:$0x3FDB];
	_ =	sdelay $0x1  }
0x99: {  	s19 =	simm.s32 $_scs_section_size  }
0x9a: {  	s4 =	simm.s32 $_size__tile_overlayer_lowered;
	s5 =	simm.s32 $_tile_overlayer_lowered  }
0x9b: {  	s22 =	simm.s32 $0x1BFF;
	s21 =	sshll.u32 s5, $0x1;
	s2 =	sadd.s32 s19, s18  }
0x9c: {  	s6 =	simm.s32 $0x0;
	s20 =	sshll.u32 s4, $0x1;
	s4 =	sadd.s32 s21, s2  }
0x9d: {  	[timem:s6], [sflag:s22] =	dma.local [hbm:s4], s20  }
0x9e: {  	_ =	swait.ge [sflag:s22], s20  }
0x9f: {  	s3 =	ssub.s32 $0x0, s20;
	[sflag:s22] =	ssyncset.done $0x0  }
0xa0: {  	[sflag:s22] =	ssyncadd.s32 s3;
	_ =	sdelay $0x1  }
0xa1: {  	s23 =	simm.s32 $0x1B8B  }
0xa2: {  	_ =	swait.ge [sflag:s23], $0x1  }
0xa3: {  	[sflag:s23] =	ssyncset.done $0x0  }
0xa4: {  	s25 =	simm.s32 $0x1B8E;
	s24 =	sld [smem:$0x3FFE];
	[sflag:s23] =	ssyncadd.s32 $0xFFFFFFFF  }
0xa5: {  	s26 =	simm.s32 $execute0_lowered;
	[smem:$0x3FD2] =	sst s25  }
0xa6: {  	s4 =	sshll.u32 s26, $0x1;
	_ =	strace $0x80000046;
	[dreg:$0x1] =	wrdreg $0xFFFFFFFF  }
0xa7: {  	s28 =	simm.s32 $_size_execute0_lowered;
	s2 =	sadd.s32 s2, s4;
	[dreg:$0x0] =	wrdreg $0x0  }
0xa8: {  	s4 =	sshll.u32 s28, $0x1;
	[dreg:$0x2] =	wrdreg s2  }
0xa9: {  	[dreg:$0x3] =	wrdreg s4  }
0xaa: {  	[dreg:$0x4] =	wrdreg $0xC0  }
0xab: {  	_ =	task [dreg:s6], $0x5FFFF  }
0xac: {  	[dreg:$0x1] =	wrdreg $0xFFFFFFFF  }
0xad: {  	[dreg:$0x0] =	wrdreg $0x60  }
0xae: {  	[dreg:$0x2] =	wrdreg s24  }
0xaf: {  	[dreg:$0x3] =	wrdreg $0x9  }
0xb0: {  	_ =	task.clear_ibuf [dreg:s6], $0x4FFFF;
	_ =	strace $0x90000046  }
0xb1: {  	s29 =	simm.s32 $0x9;
	_ =	strace $0x80000048  }
0xb2: {  	_ =	swait.ge [sflag:s29], $0x1  }
0xb3: {  	[sflag:s29] =	ssyncadd.s32 $0xFFFFFFFF  }
0xb4: {  	_ =	strace $0x90000048  }
0xb5: {  	_ =	sfence  }
0xb6: {  	s30 =	sld [smem:$0x0];
	_ =	sdelay $0x2  }
0xb7: {  	s31 =	sshll.u32 s1, $0xD;
	s1 =	sshrl.u32 s1, $0x2  }
0xb8: {  	s3 =	sand.u32 $0x4000, s31;
	s1 =	sadd.s32 s1, s30  }
0xb9: {  	s0 =	sor.u32 s3, s0;
	s1 =	sshll.u32 s1, $0x11  }
0xba: {  	s0 =	sor.u32 s1, s0  }
0xbb: {  	s0 =	sadd.s32 $0x8F2B, s0  }
0xbc: {  	[sflag:s0] =	ssyncadd.remote.s32 $0x1  }
0xbd: {  	_ =	sfence.sel $0xFFFF  }
0xbe: {  	[dreg:$0x0] =	wrdreg $0xFFFFFFFF;
	(pc) =	sbr.abs _section_cstart, $3  }
0xbf: {  	[dreg:$0x1] =	wrdreg $0xFFFFFFFF  }
0xc0: {  	_ =	task.clear_ibuf [dreg:s6], $0x2FFFF;
	_ =	strace $0x9FFFFFFF  }
0xc1: {  	(tm) =	ssettm $0x7FFFFFFF  }
tec
execute0_lowered:
.L_overlay_start_1:
0x0: {  	(tag) =	ssettag $0x1  }
0x1: {  	s1 =	srdreg.scid  }
0x2: {  	s0 =	stileid.u32;
	s4 =	rddreg [dreg:$0x0]  }
0x3: {  	s9 =	simm.s32 $0x6800;
	s10 =	simm.s32 $0x68;
	s11 =	simm.s32 $0x8100  }
0x4: {  	s12 =	simm.s32 $0xD0;
	s13 =	simm.s32 $0x9A00;
	s14 =	simm.s32 $0x138  }
0x5: {  	s15 =	simm.s32 $0xB300;
	s16 =	simm.s32 $0x1;
	s17 =	simm.s32 $0x2  }
0x6: {  	s18 =	simm.s32 $0xCC00;
	s19 =	simm.s32 $0x0;
	s3 =	sand.u32 $0x1, s1  }
0x7: {  	s31 =	sshll.u32 s0, $0x8;
	s1 =	rddreg [dreg:$0x1];
	s2 =	sshll.u32 s3, $0x7  }
0x8: {  	s7 =	ssub.s32 $0x2, s3;
	s3 =	sadd.s32 $0xF43000, s4;
	s5 =	sor.u32 s2, s31  }
.Ltmp0:
0x9: {  	s2 =	simm.s32 $0x0;
	s8 =	sshrl.u32 s7, $0x1;
	(pc) =	sbr.rel .LBB2_1-.Ltmp0, $4  }
0xa: {  	s6 =	smul.u32 $0x1A, s5;
	[smem:$0x7FF] =	sst s2;
	s5 =	sshll.u32 s5, $0x3  }
0xb: {  	s7 =	ssub.s32 s7, s8;
	s8 =	simm.s32 $0x64;
	s5 =	sadd.s32 s5, s4  }
0xc: {  	_ =	strace $0x80000047;
	s6 =	sadd.s32 s6, s4;
	s5 =	sadd.s32 $0x1AC00, s5  }
0xd: {  	s4 =	sadd.s32 $0xC00, s6;
	s6 =	smax.u32 s7, $0x1;
	s7 =	simm.s32 $0x3  }
.LBB2_12:
0xe: {  	s19 =	sadd.s32 $0x1, s19  }
0xf: {  	p0 =	sne.s32 s19, s6  }
.Ltmp1:
0x10: {  	_ = 	snop;
	(pc) =	sbr.rel @!p0 .LBB2_13-.Ltmp1, $4  }
0x11: {  	[hbm4b:s5+s2] =	stream.linear.scatter [tilespmem:s18], [sflag:$0x3], $0x2000, $0x38;
	[tilespmem:$0xEC00] =	vst v63  }
0x12: {  	_ =	swait.ge [sflag:s7], $0x2000  }
0x13: {  	[sflag:s7] =	ssyncset.done $0x0  }
0x14: {  	[sflag:s7] =	ssyncadd.s32 $0xFFFFE000  }
.LBB2_1:
0x15: {  	[tilespmem:s2], [sflag:$0x3] =	stream.linear.gather [hbm4b:s4+s2], $0x6800, $0x38;
	[tilespmem:$0xEC00] =	vst v63  }
0x16: {  	_ =	swait.ge [sflag:s7], $0x6800  }
0x17: {  	[sflag:s7] =	ssyncset.done $0x0  }
0x18: {  	[sflag:s7] =	ssyncadd.s32 $0xFFFF9800  }
0x19: {  	[tilespmem:s9], [sflag:$0x1] =	stream.indirect.gather [hbm4b:s3+s8], $0x40, s2, s8, $0xb8;
	[tilespmem:$0xEC00] =	vst v63  }
0x1a: {  	_ = 	snop  }
0x1b: {  	[tilespmem:s11], [sflag:$0x1] =	stream.indirect.gather [hbm4b:s3+s8], $0x40, s10, s8, $0xb8;
	[tilespmem:$0xEC00] =	vst v63  }
0x1c: {  	_ = 	snop  }
0x1d: {  	[tilespmem:s13], [sflag:$0x2] =	stream.indirect.gather [hbm4b:s3+s8], $0x40, s12, s8, $0xb8;
	[tilespmem:$0xEC00] =	vst v63  }
0x1e: {  	s20 =	simm.s32 $0x0  }
0x1f: {  	[tilespmem:s15], [sflag:$0x2] =	stream.indirect.gather [hbm4b:s3+s8], $0x40, s14, s8, $0xb8;
	[tilespmem:$0xEC00] =	vst v63  }
.LBB2_2:
0x20: {  	_ =	swait.ge [sflag:s16], $0x1900  }
0x21: {  	[sflag:s16] =	ssyncset.done $0x0  }
0x22: {  	[sflag:s16] =	ssyncadd.s32 $0xFFFFE700  }
0x23: {  	_ =	swait.ge [sflag:s16], $0x1900  }
0x24: {  	[sflag:s16] =	ssyncset.done $0x0  }
0x25: {  	s21 =	simm.s32 $0x0;
	[sflag:s16] =	ssyncadd.s32 $0xFFFFE700  }
0x26: {  	v2 =	vld [tilespmem:s21+$0x68C0]  }
0x27: {  	v3 =	vld [tilespmem:s21+$0x68D0]  }
0x28: {  	v5 =	vld [tilespmem:s21+$0x6880]  }
0x29: {  	v6 =	vld [tilespmem:s21+$0x6890]  }
0x2a: {  	v7 =	vld [tilespmem:s21+$0x6840]  }
0x2b: {  	v8 =	vld [tilespmem:s21+$0x6850]  }
0x2c: {  	v11 =	vld [tilespmem:s21+$0x6800]  }
0x2d: {  	v1 =	vimm.f32 $0.0e+00;
	v13 =	vld [tilespmem:s21+$0x6810]  }
0x2e: {  	s22 =	simm.s32 $0x400;
	v10 =	vimm.f32 $0.0e+00;
	v4 =	vimm.f32 $0.0e+00;
	v9 =	vimm.f32 $0.0e+00;
	v12 =	vld [tilespmem:s21+$0x6820]  }
.LBB2_3:
0x2f: {  	p0 =	sne.s32 s22, $0x6000;
	v0 =	vld [tilespmem:s21+$0x6830]  }
0x30: {  	v14 =	vld [tilespmem:s21+$0x6860]  }
0x31: {  	v15 =	vld [tilespmem:s21+$0x6870]  }
0x32: {  	v16 =	vld [tilespmem:s21+$0x68A0]  }
0x33: {  	v1 =	vadd.f32 v11, v1;
	v10 =	vadd.f32 v13, v10;
	v11 =	vld [tilespmem:s21+$0x68B0]  }
0x34: {  	v4 =	vadd.f32 v12, v4;
	v0 =	vadd.f32 v0, v9;
	v9 =	vld [tilespmem:s21+$0x68E0]  }
0x35: {  	v1 =	vadd.f32 v7, v1;
	v7 =	vadd.f32 v8, v10;
	v8 =	vld [tilespmem:s21+$0x68F0];
	s21 =	sshra.s32 s22, $0x2  }
0x36: {  	v4 =	vadd.f32 v14, v4;
	v12 =	vld [tilespmem:s21+$0x68C0];
	v0 =	vadd.f32 v15, v0  }
0x37: {  	v1 =	vadd.f32 v5, v1;
	v7 =	vadd.f32 v6, v7;
	v13 =	vld [tilespmem:s21+$0x68D0]  }
0x38: {  	v4 =	vadd.f32 v16, v4;
	v5 =	vld [tilespmem:s21+$0x6880];
	v0 =	vadd.f32 v11, v0  }
0x39: {  	v1 =	vadd.f32 v2, v1;
	v10 =	vadd.f32 v3, v7;
	v6 =	vld [tilespmem:s21+$0x6890]  }
.Ltmp2:
0x3a: {  	v4 =	vadd.f32 v9, v4;
	v7 =	vld [tilespmem:s21+$0x6840];
	v9 =	vadd.f32 v8, v0;
	(pc) =	sbr.rel @p0 .LBB2_3-.Ltmp2, $4  }
0x3b: {  	v8 =	vld [tilespmem:s21+$0x6850];
	v2 =	vmov v12  }
0x3c: {  	v11 =	vld [tilespmem:s21+$0x6800];
	v3 =	vmov v13  }
0x3d: {  	v13 =	vld [tilespmem:s21+$0x6810]  }
0x3e: {  	s22 =	sadd.s32 $0x400, s22;
	v12 =	vld [tilespmem:s21+$0x6820]  }
0x3f: {  	v14 =	vld [tilespmem:s21+$0x6830]  }
0x40: {  	v15 =	vld [tilespmem:s21+$0x6860]  }
0x41: {  	v16 =	vld [tilespmem:s21+$0x6870]  }
0x42: {  	v17 =	vld [tilespmem:s21+$0x68A0]  }
0x43: {  	v18 =	vld [tilespmem:s21+$0x68B0]  }
0x44: {  	v19 =	vld [tilespmem:s21+$0x68E0]  }
0x45: {  	v20 =	vld [tilespmem:s21+$0x68F0];
	s21 =	simm.s32 $0x0  }
0x46: {  	v0 =	vld [tilespmem:s21+$0x81C0]  }
0x47: {  	v11 =	vadd.f32 v11, v1;
	v1 =	vld [tilespmem:s21+$0x81D0];
	v10 =	vadd.f32 v13, v10  }
0x48: {  	v12 =	vadd.f32 v12, v4;
	v4 =	vld [tilespmem:s21+$0x8180];
	v9 =	vadd.f32 v14, v9  }
0x49: {  	v11 =	vadd.f32 v7, v11;
	v7 =	vld [tilespmem:s21+$0x8190];
	v10 =	vadd.f32 v8, v10  }
0x4a: {  	v8 =	vld [tilespmem:s21+$0x8140];
	v12 =	vadd.f32 v15, v12;
	v9 =	vadd.f32 v16, v9  }
0x4b: {  	v11 =	vadd.f32 v5, v11;
	v5 =	vld [tilespmem:s21+$0x8150];
	v6 =	vadd.f32 v6, v10  }
0x4c: {  	v10 =	vld [tilespmem:s21+$0x8100];
	v12 =	vadd.f32 v17, v12;
	v13 =	vadd.f32 v18, v9  }
0x4d: {  	v9 =	vadd.f32 v2, v11;
	v3 =	vadd.f32 v3, v6;
	v11 =	vld [tilespmem:s21+$0x8110]  }
0x4e: {  	s22 =	simm.s32 $0x400;
	v6 =	vadd.f32 v19, v12;
	v12 =	vld [tilespmem:s21+$0x8120];
	v2 =	vadd.f32 v20, v13  }
.LBB2_5:
0x4f: {  	p0 =	sne.s32 s22, $0x6000;
	v13 =	vld [tilespmem:s21+$0x8130]  }
0x50: {  	v14 =	vld [tilespmem:s21+$0x8160]  }
0x51: {  	v15 =	vld [tilespmem:s21+$0x8170]  }
0x52: {  	v16 =	vld [tilespmem:s21+$0x81A0]  }
0x53: {  	v9 =	vadd.f32 v10, v9;
	v3 =	vadd.f32 v11, v3;
	v10 =	vld [tilespmem:s21+$0x81B0]  }
0x54: {  	v6 =	vadd.f32 v12, v6;
	v2 =	vadd.f32 v13, v2;
	v11 =	vld [tilespmem:s21+$0x81E0]  }
0x55: {  	v8 =	vadd.f32 v8, v9;
	v3 =	vadd.f32 v5, v3;
	v5 =	vld [tilespmem:s21+$0x81F0];
	s21 =	sshra.s32 s22, $0x2  }
0x56: {  	v6 =	vadd.f32 v14, v6;
	v12 =	vld [tilespmem:s21+$0x81C0];
	v2 =	vadd.f32 v15, v2  }
0x57: {  	v8 =	vadd.f32 v4, v8;
	v3 =	vadd.f32 v7, v3;
	v13 =	vld [tilespmem:s21+$0x81D0]  }
0x58: {  	v6 =	vadd.f32 v16, v6;
	v4 =	vld [tilespmem:s21+$0x8180];
	v2 =	vadd.f32 v10, v2  }
0x59: {  	v9 =	vadd.f32 v0, v8;
	v3 =	vadd.f32 v1, v3;
	v7 =	vld [tilespmem:s21+$0x8190]  }
.Ltmp3:
0x5a: {  	v6 =	vadd.f32 v11, v6;
	v8 =	vld [tilespmem:s21+$0x8140];
	v2 =	vadd.f32 v5, v2;
	(pc) =	sbr.rel @p0 .LBB2_5-.Ltmp3, $4  }
0x5b: {  	v5 =	vld [tilespmem:s21+$0x8150];
	v0 =	vmov v12  }
0x5c: {  	v10 =	vld [tilespmem:s21+$0x8100];
	v1 =	vmov v13  }
0x5d: {  	v11 =	vld [tilespmem:s21+$0x8110]  }
0x5e: {  	s22 =	sadd.s32 $0x400, s22;
	v12 =	vld [tilespmem:s21+$0x8120]  }
0x5f: {  	v13 =	vld [tilespmem:s21+$0x8130]  }
0x60: {  	v14 =	vld [tilespmem:s21+$0x8160]  }
0x61: {  	v15 =	vld [tilespmem:s21+$0x8170];
	v9 =	vadd.f32 v10, v9  }
0x62: {  	v10 =	vld [tilespmem:s21+$0x81A0];
	v3 =	vadd.f32 v11, v3  }
0x63: {  	v11 =	vld [tilespmem:s21+$0x81B0];
	v6 =	vadd.f32 v12, v6;
	v8 =	vadd.f32 v8, v9  }
0x64: {  	v9 =	vld [tilespmem:s21+$0x81E0];
	v2 =	vadd.f32 v13, v2;
	v3 =	vadd.f32 v5, v3  }
0x65: {  	v5 =	vld [tilespmem:s21+$0x81F0];
	v6 =	vadd.f32 v14, v6;
	v4 =	vadd.f32 v4, v8  }
0x66: {  	v2 =	vadd.f32 v15, v2;
	v3 =	vadd.f32 v7, v3  }
0x67: {  	s31 =	sshll.u32 s20, $0x7;
	v6 =	vadd.f32 v10, v6;
	v0 =	vadd.f32 v0, v4  }
0x68: {  	p0 =	seq.s32 s20, $0x3F;
	s21 =	sand.u32 $0x3FFFFF80, s31;
	v2 =	vadd.f32 v11, v2;
	v1 =	vadd.f32 v1, v3  }
0x69: {  	s22 =	smul.u32 @!p0 $0x680, s20;
	v3 =	vadd.f32 v9, v6;
	[tilespmem:s21+$0xCC00] =	vst v0  }
0x6a: {  	v0 =	vadd.f32 v5, v2;
	[tilespmem:s21+$0xCC10] =	vst v1  }
0x6b: {  	s22 =	sshra.s32 @!p0 s22, $0x2;
	[tilespmem:s21+$0xCC20] =	vst v3  }
0x6c: {  	s24 =	simm.s32 @!p0 $0x64;
	s25 =	simm.s32 @!p0 $0x6800;
	s23 =	sadd.s32 @!p0 $0x1A0, s22;
	[tilespmem:s21+$0xCC30] =	vst v0  }
0x6d: {  	[tilespmem:s25], [sflag:$0x1] =	stream.indirect.gather @!p0 [hbm4b:s3+s24], $0x40, s23, s24, $0xb8;
	[tilespmem:$0xEC00] =	vst v63  }
0x6e: {  	s22 =	sadd.s32 @!p0 $0x208, s22;
	s23 =	simm.s32 @!p0 $0x8100  }
0x6f: {  	[tilespmem:s23], [sflag:$0x1] =	stream.indirect.gather @!p0 [hbm4b:s3+s24], $0x40, s22, s24, $0xb8;
	[tilespmem:$0xEC00] =	vst v63  }
0x70: {  	_ =	swait.ge [sflag:s17], $0x1900  }
0x71: {  	[sflag:s17] =	ssyncset.done $0x0  }
0x72: {  	[sflag:s17] =	ssyncadd.s32 $0xFFFFE700  }
0x73: {  	_ =	swait.ge [sflag:s17], $0x1900  }
0x74: {  	[sflag:s17] =	ssyncset.done $0x0  }
0x75: {  	s22 =	simm.s32 $0x0;
	[sflag:s17] =	ssyncadd.s32 $0xFFFFE700  }
0x76: {  	v1 =	vld [tilespmem:s22+$0x9AC0]  }
0x77: {  	v3 =	vld [tilespmem:s22+$0x9AD0]  }
0x78: {  	v5 =	vld [tilespmem:s22+$0x9A80]  }
0x79: {  	v6 =	vld [tilespmem:s22+$0x9A90]  }
0x7a: {  	v7 =	vld [tilespmem:s22+$0x9A40]  }
0x7b: {  	v8 =	vld [tilespmem:s22+$0x9A50]  }
0x7c: {  	v11 =	vld [tilespmem:s22+$0x9A00]  }
0x7d: {  	v10 =	vimm.f32 $0.0e+00;
	v13 =	vld [tilespmem:s22+$0x9A10]  }
0x7e: {  	v4 =	vimm.f32 $0.0e+00;
	v9 =	vimm.f32 $0.0e+00;
	v2 =	vimm.f32 $0.0e+00;
	s23 =	simm.s32 $0x400;
	v12 =	vld [tilespmem:s22+$0x9A20]  }
.LBB2_7:
0x7f: {  	p1 =	sne.s32 s23, $0x6000;
	v0 =	vld [tilespmem:s22+$0x9A30]  }
0x80: {  	v14 =	vld [tilespmem:s22+$0x9A60]  }
0x81: {  	v15 =	vld [tilespmem:s22+$0x9A70]  }
0x82: {  	v16 =	vld [tilespmem:s22+$0x9AA0]  }
0x83: {  	v2 =	vadd.f32 v11, v2;
	v10 =	vadd.f32 v13, v10;
	v11 =	vld [tilespmem:s22+$0x9AB0]  }
0x84: {  	v4 =	vadd.f32 v12, v4;
	v0 =	vadd.f32 v0, v9;
	v9 =	vld [tilespmem:s22+$0x9AE0]  }
0x85: {  	v2 =	vadd.f32 v7, v2;
	v7 =	vadd.f32 v8, v10;
	v8 =	vld [tilespmem:s22+$0x9AF0];
	s22 =	sshra.s32 s23, $0x2  }
0x86: {  	v4 =	vadd.f32 v14, v4;
	v12 =	vld [tilespmem:s22+$0x9AC0];
	v0 =	vadd.f32 v15, v0  }
0x87: {  	v2 =	vadd.f32 v5, v2;
	v7 =	vadd.f32 v6, v7;
	v13 =	vld [tilespmem:s22+$0x9AD0]  }
0x88: {  	v4 =	vadd.f32 v16, v4;
	v5 =	vld [tilespmem:s22+$0x9A80];
	v0 =	vadd.f32 v11, v0  }
0x89: {  	v2 =	vadd.f32 v1, v2;
	v10 =	vadd.f32 v3, v7;
	v6 =	vld [tilespmem:s22+$0x9A90]  }
.Ltmp4:
0x8a: {  	v4 =	vadd.f32 v9, v4;
	v7 =	vld [tilespmem:s22+$0x9A40];
	v9 =	vadd.f32 v8, v0;
	(pc) =	sbr.rel @p1 .LBB2_7-.Ltmp4, $4  }
0x8b: {  	v8 =	vld [tilespmem:s22+$0x9A50];
	v1 =	vmov v12  }
0x8c: {  	v11 =	vld [tilespmem:s22+$0x9A00];
	v3 =	vmov v13  }
0x8d: {  	v13 =	vld [tilespmem:s22+$0x9A10]  }
0x8e: {  	s23 =	sadd.s32 $0x400, s23;
	v12 =	vld [tilespmem:s22+$0x9A20]  }
0x8f: {  	v14 =	vld [tilespmem:s22+$0x9A30]  }
0x90: {  	v15 =	vld [tilespmem:s22+$0x9A60]  }
0x91: {  	v16 =	vld [tilespmem:s22+$0x9A70]  }
0x92: {  	v17 =	vld [tilespmem:s22+$0x9AA0]  }
0x93: {  	v18 =	vld [tilespmem:s22+$0x9AB0]  }
0x94: {  	v19 =	vld [tilespmem:s22+$0x9AE0]  }
0x95: {  	v20 =	vld [tilespmem:s22+$0x9AF0];
	s22 =	simm.s32 $0x0  }
0x96: {  	v0 =	vld [tilespmem:s22+$0xB3C0]  }
0x97: {  	v11 =	vadd.f32 v11, v2;
	v2 =	vld [tilespmem:s22+$0xB3D0];
	v10 =	vadd.f32 v13, v10  }
0x98: {  	v12 =	vadd.f32 v12, v4;
	v4 =	vld [tilespmem:s22+$0xB380];
	v9 =	vadd.f32 v14, v9  }
0x99: {  	v11 =	vadd.f32 v7, v11;
	v7 =	vld [tilespmem:s22+$0xB390];
	v10 =	vadd.f32 v8, v10  }
0x9a: {  	v8 =	vld [tilespmem:s22+$0xB340];
	v12 =	vadd.f32 v15, v12;
	v9 =	vadd.f32 v16, v9  }
0x9b: {  	v11 =	vadd.f32 v5, v11;
	v5 =	vld [tilespmem:s22+$0xB350];
	v6 =	vadd.f32 v6, v10  }
0x9c: {  	v10 =	vld [tilespmem:s22+$0xB300];
	v12 =	vadd.f32 v17, v12;
	v13 =	vadd.f32 v18, v9  }
0x9d: {  	v9 =	vadd.f32 v1, v11;
	v3 =	vadd.f32 v3, v6;
	v11 =	vld [tilespmem:s22+$0xB310]  }
0x9e: {  	s23 =	simm.s32 $0x400;
	v6 =	vadd.f32 v19, v12;
	v12 =	vld [tilespmem:s22+$0xB320];
	v1 =	vadd.f32 v20, v13  }
.LBB2_9:
0x9f: {  	p1 =	sne.s32 s23, $0x6000;
	v13 =	vld [tilespmem:s22+$0xB330]  }
0xa0: {  	v14 =	vld [tilespmem:s22+$0xB360]  }
0xa1: {  	v15 =	vld [tilespmem:s22+$0xB370]  }
0xa2: {  	v16 =	vld [tilespmem:s22+$0xB3A0]  }
0xa3: {  	v9 =	vadd.f32 v10, v9;
	v3 =	vadd.f32 v11, v3;
	v10 =	vld [tilespmem:s22+$0xB3B0]  }
0xa4: {  	v6 =	vadd.f32 v12, v6;
	v1 =	vadd.f32 v13, v1;
	v11 =	vld [tilespmem:s22+$0xB3E0]  }
0xa5: {  	v8 =	vadd.f32 v8, v9;
	v3 =	vadd.f32 v5, v3;
	v5 =	vld [tilespmem:s22+$0xB3F0];
	s22 =	sshra.s32 s23, $0x2  }
0xa6: {  	v6 =	vadd.f32 v14, v6;
	v12 =	vld [tilespmem:s22+$0xB3C0];
	v1 =	vadd.f32 v15, v1  }
0xa7: {  	v8 =	vadd.f32 v4, v8;
	v3 =	vadd.f32 v7, v3;
	v13 =	vld [tilespmem:s22+$0xB3D0]  }
0xa8: {  	v6 =	vadd.f32 v16, v6;
	v4 =	vld [tilespmem:s22+$0xB380];
	v1 =	vadd.f32 v10, v1  }
0xa9: {  	v9 =	vadd.f32 v0, v8;
	v3 =	vadd.f32 v2, v3;
	v7 =	vld [tilespmem:s22+$0xB390]  }
.Ltmp5:
0xaa: {  	v6 =	vadd.f32 v11, v6;
	v8 =	vld [tilespmem:s22+$0xB340];
	v1 =	vadd.f32 v5, v1;
	(pc) =	sbr.rel @p1 .LBB2_9-.Ltmp5, $4  }
0xab: {  	v5 =	vld [tilespmem:s22+$0xB350];
	v0 =	vmov v12  }
0xac: {  	v10 =	vld [tilespmem:s22+$0xB300];
	v2 =	vmov v13  }
0xad: {  	v11 =	vld [tilespmem:s22+$0xB310]  }
0xae: {  	s23 =	sadd.s32 $0x400, s23;
	v12 =	vld [tilespmem:s22+$0xB320]  }
0xaf: {  	v13 =	vld [tilespmem:s22+$0xB330]  }
0xb0: {  	v14 =	vld [tilespmem:s22+$0xB360]  }
0xb1: {  	v15 =	vld [tilespmem:s22+$0xB370];
	v9 =	vadd.f32 v10, v9  }
0xb2: {  	v58 =	vld [tilespmem:s22+$0xB3A0];
	v3 =	vadd.f32 v11, v3  }
0xb3: {  	v59 =	vld [tilespmem:s22+$0xB3B0];
	v6 =	vadd.f32 v12, v6;
	v8 =	vadd.f32 v8, v9  }
0xb4: {  	v60 =	vld [tilespmem:s22+$0xB3E0];
	v1 =	vadd.f32 v13, v1;
	v3 =	vadd.f32 v5, v3  }
0xb5: {  	v61 =	vld [tilespmem:s22+$0xB3F0];
	v6 =	vadd.f32 v14, v6;
	v4 =	vadd.f32 v4, v8  }
0xb6: {  	v1 =	vadd.f32 v15, v1;
	v3 =	vadd.f32 v7, v3  }
0xb7: {  	v6 =	vadd.f32 v58, v6;
	v0 =	vadd.f32 v0, v4  }
.Ltmp6:
0xb8: {  	v1 =	vadd.f32 v59, v1;
	v2 =	vadd.f32 v2, v3;
	(pc) =	sbr.rel @p0 .LBB2_12-.Ltmp6, $4  }
0xb9: {  	v62 =	vadd.f32 v60, v6;
	[tilespmem:s21+$0xCC40] =	vst v0  }
0xba: {  	v63 =	vadd.f32 v61, v1;
	[tilespmem:s21+$0xCC50] =	vst v2  }
0xbb: {  	[tilespmem:s21+$0xCC60] =	vst v62  }
0xbc: {  	[tilespmem:s21+$0xCC70] =	vst v63  }
0xbd: {  	s21 =	smul.u32 $0x680, s20;
	_ =	sdelay $0x1  }
.Ltmp7:
0xbe: {  	s21 =	sshra.s32 s21, $0x2;
	(pc) =	sbr.rel .LBB2_2-.Ltmp7, $4  }
0xbf: {  	s22 =	sadd.s32 $0x270, s21  }
0xc0: {  	[tilespmem:s13], [sflag:$0x2] =	stream.indirect.gather [hbm4b:s3+s8], $0x40, s22, s8, $0xb8;
	[tilespmem:$0xEC00] =	vst v63  }
0xc1: {  	s20 =	sadd.s32 $0x1, s20;
	s21 =	sadd.s32 $0x2D8, s21  }
0xc2: {  	[tilespmem:s15], [sflag:$0x2] =	stream.indirect.gather [hbm4b:s3+s8], $0x40, s21, s8, $0xb8;
	[tilespmem:$0xEC00] =	vst v63  }
.LBB2_13:
0xc3: {  	_ =	sfence.sel $0x180000  }
0xc4: {  	[bflag:$0x0] =	sbarrier.arrive $0xFFFF  }
0xc5: {  	p0 =	sne.s32 s0, $0x0;
	_ =	strace $0x90000047  }
0xc6: {  	s0 =	sadd.s32 @!p0 $0x100000, s1;
	[bflag:$0x2] =	sbarrier.arrive $0xFFFF  }
0xc7: {  	[sflag:s0] =	ssyncadd.tile.s32 @!p0 $0x1;
	_ =	shalt  }
.Lfunc_end2:
_tile_overlayer_lowered:
.L_overlay_start_2:
0xc8: {  	(tag) =	ssettag $0x2  }
0xc9: {  	s0 =	rddreg [dreg:$0x0];
	s2 =	stileid.u32  }
0xca: {  	s1 =	rddreg [dreg:$0x1];
	p0 =	sne.s32 s2, $0x0  }
0xcb: {  	s3 =	rddreg [dreg:$0x2];
	[bflag:$0x3] =	sbarrier.arrive $0xFFFF;
	s2 =	simm.s32 @!p0 $0x1C03  }
0xcc: {  	[timem:s3], [sflag:s2] =	dma.local @!p0 [hbm:s0], s1  }
0xcd: {  	s0 =	simm.s32 @!p0 $0x3  }
0xce: {  	_ =	swait.ge @!p0 [sflag:s0], s1  }
0xcf: {  	s1 =	ssub.s32 @!p0 $0x0, s1;
	[sflag:s0] =	ssyncset.done @!p0 $0x0  }
0xd0: {  	[sflag:s0] =	ssyncadd.s32 @!p0 s1  }
0xd1: {  	[bflag:$0x3] =	sbarrier.arrive $0xFFFF  }
0xd2: {  	_ =	shalt  }

</sc_bundles>
